<compile_context>
chip_gen: v7x
topology: tpu7x:2x2x1
jax: 0.10.2.dev20260603
libtpu: 0.0.44.dev20260713+nightly
codegen_flags: <defaults>
</compile_context>

<pallas_src>
import functools

import jax
import jax.numpy as jnp
from jax import lax
from jax.experimental import pallas as pl
from jax.experimental.pallas import tpu as pltpu
from jax.experimental.pallas import tpu_sc as plsc

N = 10000
E = 160000
D_IN = 128
H = 16
G = 64
S2S_STEPS = 3

NC = 2
NS = 16
NW = NC * NS
EPW = E // NW
CH = 100
NCH = EPW // CH
STRIPE = N // NS

@functools.cache
def _sc_kernels():
    mesh = plsc.VectorSubcoreMesh(core_axis_name="c", subcore_axis_name="s")

    @functools.partial(
        pl.kernel,
        mesh=mesh,
        out_type=jax.ShapeDtypeStruct((E, H), jnp.float32),
        scratch_types=[
            pltpu.VMEM((NCH, CH), jnp.int32),
            pltpu.VMEM((EPW, H), jnp.float32),
            pltpu.SemaphoreType.DMA,
        ],
        compiler_params=pltpu.CompilerParams(use_tc_tiling_on_sc=False),
    )
    def sc_gather(table_hbm, idx_hbm, out_hbm, idx_v, rows_v, sem):
        wid = lax.axis_index("s") * NC + lax.axis_index("c")
        base = wid * EPW
        pltpu.sync_copy(idx_hbm.at[wid], idx_v)

        def fire(j, carry):
            pltpu.async_copy(table_hbm.at[idx_v.at[j]],
                             rows_v.at[pl.ds(j * CH, CH)], sem)
            return carry

        lax.fori_loop(0, NCH, fire, 0)

        def drain(j, carry):
            pltpu.make_async_copy(table_hbm.at[idx_v.at[0]],
                                  rows_v.at[pl.ds(0, CH)], sem).wait()
            return carry

        lax.fori_loop(0, NCH, drain, 0)
        pltpu.sync_copy(rows_v, out_hbm.at[pl.ds(base, EPW)])

    @functools.partial(
        pl.kernel,
        mesh=mesh,
        out_type=jax.ShapeDtypeStruct((NC * N, H), jnp.float32),
        scratch_types=[
            pltpu.VMEM((NCH, CH), jnp.int32),
            pltpu.VMEM((EPW, H), jnp.float32),
            pltpu.VMEM((STRIPE, H), jnp.float32),
            pltpu.VMEM_SHARED((N, H), jnp.float32),
            pltpu.SemaphoreType.DMA,
        ],
        compiler_params=pltpu.CompilerParams(use_tc_tiling_on_sc=False),
    )
    def sc_scatter(msg_hbm, dst_hbm, zeros_hbm, out_hbm,
                   dst_v, msg_v, stripe_v, acc_sh, sem):
        cid = lax.axis_index("c")
        sid = lax.axis_index("s")
        wid = sid * NC + cid
        base = wid * EPW
        ld_d = pltpu.async_copy(dst_hbm.at[wid], dst_v, sem)
        ld_m = pltpu.async_copy(msg_hbm.at[pl.ds(base, EPW)], msg_v, sem)
        pltpu.sync_copy(zeros_hbm, stripe_v)
        pltpu.sync_copy(stripe_v, acc_sh.at[pl.ds(sid * STRIPE, STRIPE)])
        plsc.subcore_barrier()
        ld_d.wait()
        ld_m.wait()

        def fire(j, carry):
            pltpu.async_copy(msg_v.at[pl.ds(j * CH, CH)],
                             acc_sh.at[dst_v.at[j]], sem, add=True)
            return carry

        lax.fori_loop(0, NCH, fire, 0)

        def drain(j, carry):
            pltpu.make_async_copy(msg_v.at[pl.ds(0, CH)],
                                  acc_sh.at[dst_v.at[0]], sem).wait()
            return carry

        lax.fori_loop(0, NCH, drain, 0)
        plsc.subcore_barrier()
        pltpu.sync_copy(acc_sh.at[pl.ds(sid * STRIPE, STRIPE)], stripe_v)
        pltpu.sync_copy(stripe_v,
                        out_hbm.at[pl.ds(cid * N + sid * STRIPE, STRIPE)])

    return sc_gather, sc_scatter


def _lin_body(x_ref, w_ref, b_ref, o_ref):
    o_ref[...] = (
        jnp.dot(x_ref[...], w_ref[...], preferred_element_type=jnp.float32)
        + b_ref[...]
    )


def _edge_body(ea_ref, ls_ref, we1_ref, be1_ref, rk_ref, rj_ref, m2_ref,
               b2t_ref, o_ref):
    f32 = jnp.float32
    bf = jnp.bfloat16
    ea = ea_ref[...]
    ls = ls_ref[...]
    hmid = jnp.maximum(
        jnp.dot(ea, we1_ref[...], preferred_element_type=f32) + be1_ref[...],
        0.0,
    )
    hr = jnp.dot(hmid.astype(bf), rk_ref[...],
                 preferred_element_type=f32).astype(bf)
    lt = jnp.dot(ls.astype(bf), rj_ref[...],
                 preferred_element_type=f32).astype(bf)
    o_ref[...] = (
        jnp.dot(hr * lt, m2_ref[...], preferred_element_type=f32)
        + jnp.dot(ls, b2t_ref[...], preferred_element_type=f32)
    )


def _tail_body(u2_ref, li_ref, n2g_ref,
               wir_ref, wiz_ref, win_ref, whr_ref, whz_ref, whn_ref,
               br_ref, bz_ref, bin_ref, bhn_ref,
               wlii_ref, wlif_ref, wlig_ref, wlio_ref,
               wlhi_ref, wlhf_ref, wlhg_ref, wlho_ref,
               bli_ref, blf_ref, blg_ref, blo_ref,
               gf_ref, nf_ref):
    f32 = jnp.float32
    dot = lambda a, b: jnp.dot(a, b, preferred_element_type=f32)
    upd = u2_ref[0:N, :] + u2_ref[N:2 * N, :]
    mp = jnp.maximum(upd, 0.0)
    hx = li_ref[...]
    r = jax.nn.sigmoid(dot(mp, wir_ref[...]) + dot(hx, whr_ref[...]) + br_ref[...])
    z = jax.nn.sigmoid(dot(mp, wiz_ref[...]) + dot(hx, whz_ref[...]) + bz_ref[...])
    gn = jnp.tanh(dot(mp, win_ref[...]) + bin_ref[...]
                  + r * (dot(hx, whn_ref[...]) + bhn_ref[...]))
    hidden = (1.0 - z) * gn + z * hx
    nf_ref[...] = hidden
    n2g = n2g_ref[...]
    gids = lax.broadcasted_iota(jnp.int32, (N, G), 1)
    onehot_b = n2g == gids
    onehot_f = onehot_b.astype(f32)
    qstar = jnp.zeros((G, 2 * H), f32)
    h_l = jnp.zeros((G, H), f32)
    c_l = jnp.zeros((G, H), f32)
    for _ in range(S2S_STEPS):
        ig = jax.nn.sigmoid(dot(qstar, wlii_ref[...]) + dot(h_l, wlhi_ref[...]) + bli_ref[...])
        fg = jax.nn.sigmoid(dot(qstar, wlif_ref[...]) + dot(h_l, wlhf_ref[...]) + blf_ref[...])
        gg = jnp.tanh(dot(qstar, wlig_ref[...]) + dot(h_l, wlhg_ref[...]) + blg_ref[...])
        og = jax.nn.sigmoid(dot(qstar, wlio_ref[...]) + dot(h_l, wlho_ref[...]) + blo_ref[...])
        c_l = fg * c_l + ig * gg
        h_l = og * jnp.tanh(c_l)
        q = h_l
        qn = dot(onehot_f, q)
        e = jnp.sum(hidden * qn, axis=1, keepdims=True)
        em = jnp.where(onehot_b, e, -jnp.inf)
        m = jnp.max(em, axis=0, keepdims=True)
        m = jnp.where(m > -jnp.inf, m, 0.0)
        a = jnp.where(onehot_b, jnp.exp(e - m), 0.0)
        s = jnp.sum(a, axis=0, keepdims=True)
        w = a / (s + 1e-12)
        rr = lax.dot_general(w, hidden, (((0,), (0,)), ((), ())),
                             preferred_element_type=f32)
        qstar = jnp.concatenate([q, rr], axis=1)
    gf_ref[...] = qstar


_NP = N // 8
_EP = E // 8


def _linear(xp, Wp, bp):
    return pl.pallas_call(
        _lin_body,
        out_shape=jax.ShapeDtypeStruct((_NP, 8 * H), jnp.float32),
    )(xp, Wp, bp)


def _edge_messages(eap, lsp, We1p, be1p, Rkp, Rjp, M2p, B2Tp):
    pk = 1000
    full = lambda shape: pl.BlockSpec(shape, lambda i: tuple(0 for _ in shape))
    return pl.pallas_call(
        _edge_body,
        grid=(_EP // pk,),
        in_specs=[
            pl.BlockSpec((pk, 8 * H), lambda i: (i, 0)),
            pl.BlockSpec((pk, 8 * H), lambda i: (i, 0)),
            full((8 * H, 8 * H)),
            full((1, 8 * H)),
            full((8 * H, 8 * H * H)),
            full((8 * H, 8 * H * H)),
            full((8 * H * H, 8 * H)),
            full((8 * H, 8 * H)),
        ],
        out_specs=pl.BlockSpec((pk, 8 * H), lambda i: (i, 0)),
        out_shape=jax.ShapeDtypeStruct((_EP, 8 * H), jnp.float32),
    )(eap, lsp, We1p, be1p, Rkp, Rjp, M2p, B2Tp)


def _tail(u2, layer_input, n2g, gru_w, lstm_w):
    return pl.pallas_call(
        _tail_body,
        out_shape=(
            jax.ShapeDtypeStruct((G, 2 * H), jnp.float32),
            jax.ShapeDtypeStruct((N, H), jnp.float32),
        ),
    )(u2, layer_input, n2g, *gru_w, *lstm_w)


def kernel(x, edge_index, edge_attr, node2graph, W_lin, b_lin, We1, be1, We2,
           be2, W_ih, W_hh, b_ih, b_hh, Wl_ih, Wl_hh, bl_ih, bl_hh):
    f32 = jnp.float32
    src = edge_index[0].reshape(NW, NCH, CH)
    dst = edge_index[1].reshape(NW, NCH, CH)

    I8 = jnp.eye(8, dtype=f32)
    layer_input = _linear(
        x.reshape(_NP, 8 * D_IN),
        jnp.kron(I8, W_lin),
        jnp.tile(b_lin, 8).reshape(1, 8 * H),
    ).reshape(N, H)

    sc_gather, sc_scatter = _sc_kernels()
    ls = sc_gather(layer_input, src)

    M2 = We2.reshape(H, H, H).transpose(0, 2, 1).reshape(H * H, H)
    B2T = be2.reshape(H, H).T
    eye = jnp.eye(H, dtype=f32)
    ones_row = jnp.ones((1, H), dtype=f32)
    Rk = jnp.kron(eye, ones_row)
    Rj = jnp.kron(ones_row, eye)
    bf = jnp.bfloat16
    msg = _edge_messages(
        edge_attr.reshape(_EP, 8 * H),
        ls.reshape(_EP, 8 * H),
        jnp.kron(I8, We1),
        jnp.tile(be1, 8).reshape(1, 8 * H),
        jnp.kron(I8, Rk).astype(bf),
        jnp.kron(I8, Rj).astype(bf),
        jnp.kron(I8, M2).astype(bf),
        jnp.kron(I8, B2T),
    ).reshape(E, H)

    zeros = jnp.zeros((STRIPE, H), f32)
    u2 = sc_scatter(msg, dst, zeros)

    gru_w = (
        W_ih[0:H].T, W_ih[H:2 * H].T, W_ih[2 * H:3 * H].T,
        W_hh[0:H].T, W_hh[H:2 * H].T, W_hh[2 * H:3 * H].T,
        (b_ih[0:H] + b_hh[0:H]).reshape(1, H),
        (b_ih[H:2 * H] + b_hh[H:2 * H]).reshape(1, H),
        b_ih[2 * H:3 * H].reshape(1, H),
        b_hh[2 * H:3 * H].reshape(1, H),
    )
    lstm_w = (
        Wl_ih[0:H].T, Wl_ih[H:2 * H].T, Wl_ih[2 * H:3 * H].T, Wl_ih[3 * H:4 * H].T,
        Wl_hh[0:H].T, Wl_hh[H:2 * H].T, Wl_hh[2 * H:3 * H].T, Wl_hh[3 * H:4 * H].T,
        (bl_ih[0:H] + bl_hh[0:H]).reshape(1, H),
        (bl_ih[H:2 * H] + bl_hh[H:2 * H]).reshape(1, H),
        (bl_ih[2 * H:3 * H] + bl_hh[2 * H:3 * H]).reshape(1, H),
        (bl_ih[3 * H:4 * H] + bl_hh[3 * H:4 * H]).reshape(1, H),
    )
    graph_feature, node_feature = _tail(
        u2, layer_input, node2graph.reshape(N, 1), gru_w, lstm_w)
    return graph_feature, node_feature

# --- scband reference (transcript-rebuilt; emitter-appended) ---
"""Pipeline reference for scband-message-passing-neural-network-44667659879039 (READ-ONLY COPY).

The authoritative reference and input builder live on the scoring server;
editing this copy changes nothing except your own understanding.
"""

import jax, jax.numpy as jnp
import numpy as np

N = 10000
E = 160000
D_IN = 128
H = 16
D_EDGE = 16
G = 64
S2S_STEPS = 3


def _init_params(key):
    ks = jax.random.split(key, 14)
    def u(k, shape, fan_in):
        b = 1.0 / np.sqrt(fan_in)
        return jax.random.uniform(k, shape, minval=-b, maxval=b, dtype=jnp.float32)
    p = {}
    p["W_lin"] = u(ks[0], (D_IN, H), D_IN)
    p["b_lin"] = u(ks[1], (H,), D_IN)
    p["We1"] = u(ks[2], (D_EDGE, H), D_EDGE)
    p["be1"] = u(ks[3], (H,), D_EDGE)
    p["We2"] = u(ks[4], (H, H * H), H)
    p["be2"] = u(ks[5], (H * H,), H)
    p["W_ih"] = u(ks[6], (3 * H, H), H)
    p["W_hh"] = u(ks[7], (3 * H, H), H)
    p["b_ih"] = u(ks[8], (3 * H,), H)
    p["b_hh"] = u(ks[9], (3 * H,), H)
    p["Wl_ih"] = u(ks[10], (4 * H, 2 * H), 2 * H)
    p["Wl_hh"] = u(ks[11], (4 * H, H), H)
    p["bl_ih"] = u(ks[12], (4 * H,), H)
    p["bl_hh"] = u(ks[13], (4 * H,), H)
    return p


def setup_inputs(seed: int = 0):
    key = jax.random.key(seed)
    ks = jax.random.split(key, 8)
    inp = {}
    inp["x"] = jax.random.normal(ks[0], (N, D_IN), dtype=jnp.float32)
    inp["edge_index"] = jax.random.randint(ks[1], (2, E), 0, N, dtype=jnp.int32)
    inp["edge_attr"] = jax.random.normal(ks[2], (E, D_EDGE), dtype=jnp.float32)
    inp["node2graph"] = jnp.sort(jax.random.randint(ks[3], (N,), 0, G, dtype=jnp.int32))
    inp.update(_init_params(ks[4]))
    return inp


def _gru_step(x, h, W_ih, W_hh, b_ih, b_hh):
    gi = x @ W_ih.T + b_ih
    gh = h @ W_hh.T + b_hh
    r = jax.nn.sigmoid(gi[:, :H] + gh[:, :H])
    z = jax.nn.sigmoid(gi[:, H:2 * H] + gh[:, H:2 * H])
    n = jnp.tanh(gi[:, 2 * H:] + r * gh[:, 2 * H:])
    return (1.0 - z) * n + z * h


def _forward(x, edge_attr, W_lin, b_lin, We1, be1, We2, be2, W_ih, W_hh, b_ih, b_hh, Wl_ih, Wl_hh, bl_ih, bl_hh, edge_index, node2graph):
    src = edge_index[0]
    dst = edge_index[1]
    layer_input = x @ W_lin + b_lin
    hx = layer_input
    # enn-s2s MessagePassing layer: edge MLP -> per-edge HxH transform
    hmid = jax.nn.relu(edge_attr @ We1 + be1)
    transform = (hmid @ We2 + be2).reshape(E, H, H)
    msg = jnp.einsum('eij,ej->ei', transform, layer_input[src])
    update = jnp.zeros((N, H), dtype=x.dtype).at[dst].add(msg)
    mp_out = jax.nn.relu(update)
    # GRU node update (single layer, single step)
    hidden = _gru_step(mp_out, hx, W_ih, W_hh, b_ih, b_hh)
    node_feature = hidden
    # Set2Set readout
    F = H
    qstar = jnp.zeros((G, 2 * F), dtype=x.dtype)
    h_l = jnp.zeros((G, F), dtype=x.dtype)
    c_l = jnp.zeros((G, F), dtype=x.dtype)
    for _ in range(S2S_STEPS):
        gates = qstar @ Wl_ih.T + bl_ih + h_l @ Wl_hh.T + bl_hh
        i = jax.nn.sigmoid(gates[:, :F])
        f = jax.nn.sigmoid(gates[:, F:2 * F])
        g = jnp.tanh(gates[:, 2 * F:3 * F])
        o = jax.nn.sigmoid(gates[:, 3 * F:])
        c_l = f * c_l + i * g
        h_l = o * jnp.tanh(c_l)
        q = h_l
        e = jnp.sum(node_feature * q[node2graph], axis=-1)
        m = jax.ops.segment_max(e, node2graph, num_segments=G)
        m = jnp.where(jnp.isfinite(m), m, 0.0)
        a = jnp.exp(e - m[node2graph])
        s = jax.ops.segment_sum(a, node2graph, num_segments=G)
        a = a / (s[node2graph] + 1e-12)
        r = jax.ops.segment_sum(a[:, None] * node_feature, node2graph, num_segments=G)
        qstar = jnp.concatenate([q, r], axis=-1)
    graph_feature = qstar
    return graph_feature, node_feature


def reference(x, edge_index, edge_attr, node2graph, W_lin, b_lin, We1, be1, We2, be2, W_ih, W_hh, b_ih, b_hh, Wl_ih, Wl_hh, bl_ih, bl_hh):
    return _forward(x, edge_attr, W_lin, b_lin, We1, be1, We2, be2, W_ih, W_hh, b_ih, b_hh, Wl_ih, Wl_hh, bl_ih, bl_hh, edge_index, node2graph)

if __name__ == "__main__":
    import jax
    _d = setup_inputs()
    print(jax.jit(kernel)(*tuple(_d.values())))

</pallas_src>

<mosaic_0001>
#map = affine_map<(d0, d1) -> (0, 0)>
#map1 = affine_map<(d0, d1) -> (0, 0, 0)>
module attributes {stable_mosaic.version = 14 : i64} {
  func.func @sc_gather(%arg0: i32, %arg1: i32, %arg2: memref<10000x16xf32, #tpu.memory_space<hbm>>, %arg3: memref<32x50x100xi32, #tpu.memory_space<hbm>>, %arg4: memref<160000x16xf32, #tpu.memory_space<hbm>>, %arg5: memref<50x100xi32, #tpu.memory_space<vmem>>, %arg6: memref<5000x16xf32, #tpu.memory_space<vmem>>, %arg7: memref<!tpu.dma_semaphore, #tpu.memory_space<semaphore_mem>>) attributes {dimension_semantics = [#tpu.dimension_semantics<core_parallel>, #tpu.dimension_semantics<subcore_parallel>], iteration_bounds = array<i64: 2, 16>, scalar_prefetch = 0 : i64, scratch_operands = 3 : i64, tpu.core_type = #tpu.core_type<sc_vector_subcore>, window_params = [{transform_indices = #map}, {transform_indices = #map1}, {transform_indices = #map}]} {
    %mul3A = arith.constant 2 : i32
    %mul3A_0 = arith.muli %arg1, %mul3A : i32
    %add3A = arith.addi %mul3A_0, %arg0 : i32
    %mul3A_1 = arith.constant 5000 : i32
    %mul3A_2 = arith.muli %add3A, %mul3A_1 : i32
    "tpu.region"() ({
      %run_scoped3A = tpu.sem_alloc : memref<!tpu.dma_semaphore, #tpu.memory_space<semaphore_mem>>
      %dma_start3A = arith.constant 0 : i32
      %dma_start3A_14 = arith.constant 0 : i32
      %dma_start3A_15 = tpu.memref_slice %arg3[%add3A, %dma_start3A, %dma_start3A_14] : memref<32x50x100xi32, #tpu.memory_space<hbm>> -> memref<1x50x100xi32, #tpu.memory_space<hbm>>
      %dma_start3A_16 = tpu.memref_squeeze %dma_start3A_15 : memref<1x50x100xi32, #tpu.memory_space<hbm>> -> memref<50x100xi32, #tpu.memory_space<hbm>>
      %dma_start3A_17 = arith.constant 0 : i32
      %dma_start3A_18 = arith.constant 0 : i32
      %dma_start3A_19 = tpu.memref_slice %arg3[%add3A, %dma_start3A_17, %dma_start3A_18] : memref<32x50x100xi32, #tpu.memory_space<hbm>> -> memref<1x50x100xi32, #tpu.memory_space<hbm>>
      %dma_start3A_20 = tpu.memref_squeeze %dma_start3A_19 : memref<1x50x100xi32, #tpu.memory_space<hbm>> -> memref<50x100xi32, #tpu.memory_space<hbm>>
      tpu.enqueue_dma source(%dma_start3A_20 : memref<50x100xi32, #tpu.memory_space<hbm>>) target(%arg5 : memref<50x100xi32, #tpu.memory_space<vmem>>) target_semaphore(%run_scoped3A : memref<!tpu.dma_semaphore, #tpu.memory_space<semaphore_mem>>)
      %dma_wait3A = arith.constant 0 : i32
      %dma_wait3A_21 = arith.constant 0 : i32
      %dma_wait3A_22 = tpu.memref_slice %arg3[%add3A, %dma_wait3A, %dma_wait3A_21] : memref<32x50x100xi32, #tpu.memory_space<hbm>> -> memref<1x50x100xi32, #tpu.memory_space<hbm>>
      %dma_wait3A_23 = tpu.memref_squeeze %dma_wait3A_22 : memref<1x50x100xi32, #tpu.memory_space<hbm>> -> memref<50x100xi32, #tpu.memory_space<hbm>>
      %dma_wait3A_24 = arith.constant 0 : i32
      %dma_wait3A_25 = arith.constant 0 : i32
      %dma_wait3A_26 = tpu.memref_slice %arg3[%add3A, %dma_wait3A_24, %dma_wait3A_25] : memref<32x50x100xi32, #tpu.memory_space<hbm>> -> memref<1x50x100xi32, #tpu.memory_space<hbm>>
      %dma_wait3A_27 = tpu.memref_squeeze %dma_wait3A_26 : memref<1x50x100xi32, #tpu.memory_space<hbm>> -> memref<50x100xi32, #tpu.memory_space<hbm>>
      tpu.wait_dma2 semaphore(%run_scoped3A : memref<!tpu.dma_semaphore, #tpu.memory_space<semaphore_mem>>) src(%dma_wait3A_27 : memref<50x100xi32, #tpu.memory_space<hbm>>) dst(%arg5 : memref<50x100xi32, #tpu.memory_space<vmem>>)
      tpu.yield
    }) : () -> ()
    %scan3A = arith.constant 0 : i32
    %scan3A_3 = arith.constant 0 : i32
    %scan3A_4 = arith.constant 50 : i32
    %scan3A_5 = arith.addi %scan3A_3, %scan3A_4 : i32
    %scan3A_6 = arith.constant 1 : i32
    scf.for %scan3A_14 = %scan3A_3 to %scan3A_5 step %scan3A_6  : i32 {
      %mul3A_15 = arith.constant 100 : i32
      %mul3A_16 = arith.muli %scan3A_14, %mul3A_15 : i32
      %dma_start3A = arith.constant 0 : i32
      %dma_start3A_17 = tpu.memref_slice %arg6[%mul3A_16, %dma_start3A] : memref<5000x16xf32, #tpu.memory_space<vmem>> -> memref<100x16xf32, #tpu.memory_space<vmem>>
      %dma_start3A_18 = arith.constant 0 : i32
      %dma_start3A_19 = tpu.memref_slice %arg5[%scan3A_14, %dma_start3A_18] : memref<50x100xi32, #tpu.memory_space<vmem>> -> memref<1x100xi32, #tpu.memory_space<vmem>>
      %dma_start3A_20 = tpu.memref_squeeze %dma_start3A_19 : memref<1x100xi32, #tpu.memory_space<vmem>> -> memref<100xi32, #tpu.memory_space<vmem>>
      %dma_start3A_21 = arith.constant 0 : i32
      %dma_start3A_22 = arith.constant 0 : i32
      %dma_start3A_23 = tpu.memref_slice %arg2[%dma_start3A_21, %dma_start3A_22] : memref<10000x16xf32, #tpu.memory_space<hbm>> -> memref<10000x16xf32, #tpu.memory_space<hbm>>
      tpu.enqueue_indirect_dma source(%dma_start3A_23 : memref<10000x16xf32, #tpu.memory_space<hbm>>) target(%dma_start3A_17 : memref<100x16xf32, #tpu.memory_space<vmem>>) offsets(%dma_start3A_20 : memref<100xi32, #tpu.memory_space<vmem>>) semaphore(%arg7 : memref<!tpu.dma_semaphore, #tpu.memory_space<semaphore_mem>>)
    }
    %scan3A_7 = arith.constant 50 : i32
    %scan3A_8 = arith.constant 0 : i32
    %scan3A_9 = arith.constant 0 : i32
    %scan3A_10 = arith.constant 50 : i32
    %scan3A_11 = arith.addi %scan3A_9, %scan3A_10 : i32
    %scan3A_12 = arith.constant 1 : i32
    scf.for %scan3A_14 = %scan3A_9 to %scan3A_11 step %scan3A_12  : i32 {
      %dma_wait3A = arith.constant 0 : i32
      %dma_wait3A_15 = arith.constant 0 : i32
      %dma_wait3A_16 = arith.constant 0 : i32
      %dma_wait3A_17 = tpu.memref_slice %arg6[%dma_wait3A_15, %dma_wait3A_16] : memref<5000x16xf32, #tpu.memory_space<vmem>> -> memref<100x16xf32, #tpu.memory_space<vmem>>
      %dma_wait3A_18 = arith.constant 0 : i32
      %dma_wait3A_19 = tpu.memref_slice %arg5[%dma_wait3A, %dma_wait3A_18] : memref<50x100xi32, #tpu.memory_space<vmem>> -> memref<1x100xi32, #tpu.memory_space<vmem>>
      %dma_wait3A_20 = tpu.memref_squeeze %dma_wait3A_19 : memref<1x100xi32, #tpu.memory_space<vmem>> -> memref<100xi32, #tpu.memory_space<vmem>>
      %dma_wait3A_21 = arith.constant 0 : i32
      %dma_wait3A_22 = arith.constant 0 : i32
      %dma_wait3A_23 = tpu.memref_slice %arg2[%dma_wait3A_21, %dma_wait3A_22] : memref<10000x16xf32, #tpu.memory_space<hbm>> -> memref<10000x16xf32, #tpu.memory_space<hbm>>
      tpu.wait_indirect_dma semaphore(%arg7 : memref<!tpu.dma_semaphore, #tpu.memory_space<semaphore_mem>>) src(%dma_wait3A_23 : memref<10000x16xf32, #tpu.memory_space<hbm>>) dst(%dma_wait3A_17 : memref<100x16xf32, #tpu.memory_space<vmem>>)
    }
    %scan3A_13 = arith.constant 50 : i32
    "tpu.region"() ({
      %run_scoped3A = tpu.sem_alloc : memref<!tpu.dma_semaphore, #tpu.memory_space<semaphore_mem>>
      %dma_start3A = arith.constant 0 : i32
      %dma_start3A_14 = tpu.memref_slice %arg4[%mul3A_2, %dma_start3A] : memref<160000x16xf32, #tpu.memory_space<hbm>> -> memref<5000x16xf32, #tpu.memory_space<hbm>>
      %dma_start3A_15 = arith.constant 0 : i32
      %dma_start3A_16 = tpu.memref_slice %arg4[%mul3A_2, %dma_start3A_15] : memref<160000x16xf32, #tpu.memory_space<hbm>> -> memref<5000x16xf32, #tpu.memory_space<hbm>>
      tpu.enqueue_dma source(%arg6 : memref<5000x16xf32, #tpu.memory_space<vmem>>) target(%dma_start3A_16 : memref<5000x16xf32, #tpu.memory_space<hbm>>) target_semaphore(%run_scoped3A : memref<!tpu.dma_semaphore, #tpu.memory_space<semaphore_mem>>)
      %dma_wait3A = arith.constant 0 : i32
      %dma_wait3A_17 = tpu.memref_slice %arg4[%mul3A_2, %dma_wait3A] : memref<160000x16xf32, #tpu.memory_space<hbm>> -> memref<5000x16xf32, #tpu.memory_space<hbm>>
      %dma_wait3A_18 = arith.constant 0 : i32
      %dma_wait3A_19 = tpu.memref_slice %arg4[%mul3A_2, %dma_wait3A_18] : memref<160000x16xf32, #tpu.memory_space<hbm>> -> memref<5000x16xf32, #tpu.memory_space<hbm>>
      tpu.wait_dma2 semaphore(%run_scoped3A : memref<!tpu.dma_semaphore, #tpu.memory_space<semaphore_mem>>) src(%arg6 : memref<5000x16xf32, #tpu.memory_space<vmem>>) dst(%dma_wait3A_19 : memref<5000x16xf32, #tpu.memory_space<hbm>>)
      tpu.yield
    }) : () -> ()
    return
  }
}

#map = affine_map<(d0, d1) -> (0, 0)>
#map1 = affine_map<(d0, d1) -> (0, 0, 0)>
module attributes {stable_mosaic.version = 14 : i64} {
  func.func @sc_scatter(%arg0: i32, %arg1: i32, %arg2: memref<160000x16xf32, #tpu.memory_space<hbm>>, %arg3: memref<32x50x100xi32, #tpu.memory_space<hbm>>, %arg4: memref<625x16xf32, #tpu.memory_space<hbm>>, %arg5: memref<20000x16xf32, #tpu.memory_space<hbm>>, %arg6: memref<50x100xi32, #tpu.memory_space<vmem>>, %arg7: memref<5000x16xf32, #tpu.memory_space<vmem>>, %arg8: memref<625x16xf32, #tpu.memory_space<vmem>>, %arg9: memref<10000x16xf32, #tpu.memory_space<vmem_shared>>, %arg10: memref<!tpu.dma_semaphore, #tpu.memory_space<semaphore_mem>>) attributes {dimension_semantics = [#tpu.dimension_semantics<core_parallel>, #tpu.dimension_semantics<subcore_parallel>], iteration_bounds = array<i64: 2, 16>, scalar_prefetch = 0 : i64, scratch_operands = 5 : i64, tpu.core_type = #tpu.core_type<sc_vector_subcore>, window_params = [{transform_indices = #map}, {transform_indices = #map1}, {transform_indices = #map}, {transform_indices = #map}]} {
    %mul3A = arith.constant 2 : i32
    %mul3A_0 = arith.muli %arg1, %mul3A : i32
    %add3A = arith.addi %mul3A_0, %arg0 : i32
    %mul3A_1 = arith.constant 5000 : i32
    %mul3A_2 = arith.muli %add3A, %mul3A_1 : i32
    %dma_start3A = arith.constant 0 : i32
    %dma_start3A_3 = arith.constant 0 : i32
    %dma_start3A_4 = tpu.memref_slice %arg3[%add3A, %dma_start3A, %dma_start3A_3] : memref<32x50x100xi32, #tpu.memory_space<hbm>> -> memref<1x50x100xi32, #tpu.memory_space<hbm>>
    %dma_start3A_5 = tpu.memref_squeeze %dma_start3A_4 : memref<1x50x100xi32, #tpu.memory_space<hbm>> -> memref<50x100xi32, #tpu.memory_space<hbm>>
    %dma_start3A_6 = arith.constant 0 : i32
    %dma_start3A_7 = arith.constant 0 : i32
    %dma_start3A_8 = tpu.memref_slice %arg3[%add3A, %dma_start3A_6, %dma_start3A_7] : memref<32x50x100xi32, #tpu.memory_space<hbm>> -> memref<1x50x100xi32, #tpu.memory_space<hbm>>
    %dma_start3A_9 = tpu.memref_squeeze %dma_start3A_8 : memref<1x50x100xi32, #tpu.memory_space<hbm>> -> memref<50x100xi32, #tpu.memory_space<hbm>>
    tpu.enqueue_dma source(%dma_start3A_9 : memref<50x100xi32, #tpu.memory_space<hbm>>) target(%arg6 : memref<50x100xi32, #tpu.memory_space<vmem>>) target_semaphore(%arg10 : memref<!tpu.dma_semaphore, #tpu.memory_space<semaphore_mem>>)
    %dma_start3A_10 = arith.constant 0 : i32
    %dma_start3A_11 = tpu.memref_slice %arg2[%mul3A_2, %dma_start3A_10] : memref<160000x16xf32, #tpu.memory_space<hbm>> -> memref<5000x16xf32, #tpu.memory_space<hbm>>
    %dma_start3A_12 = arith.constant 0 : i32
    %dma_start3A_13 = tpu.memref_slice %arg2[%mul3A_2, %dma_start3A_12] : memref<160000x16xf32, #tpu.memory_space<hbm>> -> memref<5000x16xf32, #tpu.memory_space<hbm>>
    tpu.enqueue_dma source(%dma_start3A_13 : memref<5000x16xf32, #tpu.memory_space<hbm>>) target(%arg7 : memref<5000x16xf32, #tpu.memory_space<vmem>>) target_semaphore(%arg10 : memref<!tpu.dma_semaphore, #tpu.memory_space<semaphore_mem>>)
    "tpu.region"() ({
      %run_scoped3A = tpu.sem_alloc : memref<!tpu.dma_semaphore, #tpu.memory_space<semaphore_mem>>
      tpu.enqueue_dma source(%arg4 : memref<625x16xf32, #tpu.memory_space<hbm>>) target(%arg8 : memref<625x16xf32, #tpu.memory_space<vmem>>) target_semaphore(%run_scoped3A : memref<!tpu.dma_semaphore, #tpu.memory_space<semaphore_mem>>)
      tpu.wait_dma2 semaphore(%run_scoped3A : memref<!tpu.dma_semaphore, #tpu.memory_space<semaphore_mem>>) src(%arg4 : memref<625x16xf32, #tpu.memory_space<hbm>>) dst(%arg8 : memref<625x16xf32, #tpu.memory_space<vmem>>)
      tpu.yield
    }) : () -> ()
    %mul3A_14 = arith.constant 625 : i32
    %mul3A_15 = arith.muli %arg1, %mul3A_14 : i32
    "tpu.region"() ({
      %run_scoped3A = tpu.sem_alloc : memref<!tpu.dma_semaphore, #tpu.memory_space<semaphore_mem>>
      %dma_start3A_46 = arith.constant 0 : i32
      %dma_start3A_47 = tpu.memref_slice %arg9[%mul3A_15, %dma_start3A_46] : memref<10000x16xf32, #tpu.memory_space<vmem_shared>> -> memref<625x16xf32, #tpu.memory_space<vmem_shared>>
      %dma_start3A_48 = arith.constant 0 : i32
      %dma_start3A_49 = tpu.memref_slice %arg9[%mul3A_15, %dma_start3A_48] : memref<10000x16xf32, #tpu.memory_space<vmem_shared>> -> memref<625x16xf32, #tpu.memory_space<vmem_shared>>
      tpu.enqueue_dma source(%arg8 : memref<625x16xf32, #tpu.memory_space<vmem>>) target(%dma_start3A_49 : memref<625x16xf32, #tpu.memory_space<vmem_shared>>) target_semaphore(%run_scoped3A : memref<!tpu.dma_semaphore, #tpu.memory_space<semaphore_mem>>)
      %dma_wait3A_50 = arith.constant 0 : i32
      %dma_wait3A_51 = tpu.memref_slice %arg9[%mul3A_15, %dma_wait3A_50] : memref<10000x16xf32, #tpu.memory_space<vmem_shared>> -> memref<625x16xf32, #tpu.memory_space<vmem_shared>>
      %dma_wait3A_52 = arith.constant 0 : i32
      %dma_wait3A_53 = tpu.memref_slice %arg9[%mul3A_15, %dma_wait3A_52] : memref<10000x16xf32, #tpu.memory_space<vmem_shared>> -> memref<625x16xf32, #tpu.memory_space<vmem_shared>>
      tpu.wait_dma2 semaphore(%run_scoped3A : memref<!tpu.dma_semaphore, #tpu.memory_space<semaphore_mem>>) src(%arg8 : memref<625x16xf32, #tpu.memory_space<vmem>>) dst(%dma_wait3A_53 : memref<625x16xf32, #tpu.memory_space<vmem_shared>>)
      tpu.yield
    }) : () -> ()
    %barrier3A = arith.constant 0 : index
    tpu.barrier barrier_id(%barrier3A)
    %dma_wait3A = arith.constant 0 : i32
    %dma_wait3A_16 = arith.constant 0 : i32
    %dma_wait3A_17 = tpu.memref_slice %arg3[%add3A, %dma_wait3A, %dma_wait3A_16] : memref<32x50x100xi32, #tpu.memory_space<hbm>> -> memref<1x50x100xi32, #tpu.memory_space<hbm>>
    %dma_wait3A_18 = tpu.memref_squeeze %dma_wait3A_17 : memref<1x50x100xi32, #tpu.memory_space<hbm>> -> memref<50x100xi32, #tpu.memory_space<hbm>>
    %dma_wait3A_19 = arith.constant 0 : i32
    %dma_wait3A_20 = arith.constant 0 : i32
    %dma_wait3A_21 = tpu.memref_slice %arg3[%add3A, %dma_wait3A_19, %dma_wait3A_20] : memref<32x50x100xi32, #tpu.memory_space<hbm>> -> memref<1x50x100xi32, #tpu.memory_space<hbm>>
    %dma_wait3A_22 = tpu.memref_squeeze %dma_wait3A_21 : memref<1x50x100xi32, #tpu.memory_space<hbm>> -> memref<50x100xi32, #tpu.memory_space<hbm>>
    tpu.wait_dma2 semaphore(%arg10 : memref<!tpu.dma_semaphore, #tpu.memory_space<semaphore_mem>>) src(%dma_wait3A_22 : memref<50x100xi32, #tpu.memory_space<hbm>>) dst(%arg6 : memref<50x100xi32, #tpu.memory_space<vmem>>)
    %dma_wait3A_23 = arith.constant 0 : i32
    %dma_wait3A_24 = tpu.memref_slice %arg2[%mul3A_2, %dma_wait3A_23] : memref<160000x16xf32, #tpu.memory_space<hbm>> -> memref<5000x16xf32, #tpu.memory_space<hbm>>
    %dma_wait3A_25 = arith.constant 0 : i32
    %dma_wait3A_26 = tpu.memref_slice %arg2[%mul3A_2, %dma_wait3A_25] : memref<160000x16xf32, #tpu.memory_space<hbm>> -> memref<5000x16xf32, #tpu.memory_space<hbm>>
    tpu.wait_dma2 semaphore(%arg10 : memref<!tpu.dma_semaphore, #tpu.memory_space<semaphore_mem>>) src(%dma_wait3A_26 : memref<5000x16xf32, #tpu.memory_space<hbm>>) dst(%arg7 : memref<5000x16xf32, #tpu.memory_space<vmem>>)
    %scan3A = arith.constant 0 : i32
    %scan3A_27 = arith.constant 0 : i32
    %scan3A_28 = arith.constant 50 : i32
    %scan3A_29 = arith.addi %scan3A_27, %scan3A_28 : i32
    %scan3A_30 = arith.constant 1 : i32
    scf.for %scan3A_46 = %scan3A_27 to %scan3A_29 step %scan3A_30  : i32 {
      %mul3A_47 = arith.constant 100 : i32
      %mul3A_48 = arith.muli %scan3A_46, %mul3A_47 : i32
      %dma_start3A_49 = arith.constant 0 : i32
      %dma_start3A_50 = tpu.memref_slice %arg7[%mul3A_48, %dma_start3A_49] : memref<5000x16xf32, #tpu.memory_space<vmem>> -> memref<100x16xf32, #tpu.memory_space<vmem>>
      %dma_start3A_51 = arith.constant 0 : i32
      %dma_start3A_52 = tpu.memref_slice %arg6[%scan3A_46, %dma_start3A_51] : memref<50x100xi32, #tpu.memory_space<vmem>> -> memref<1x100xi32, #tpu.memory_space<vmem>>
      %dma_start3A_53 = tpu.memref_squeeze %dma_start3A_52 : memref<1x100xi32, #tpu.memory_space<vmem>> -> memref<100xi32, #tpu.memory_space<vmem>>
      %dma_start3A_54 = arith.constant 0 : i32
      %dma_start3A_55 = arith.constant 0 : i32
      %dma_start3A_56 = tpu.memref_slice %arg9[%dma_start3A_54, %dma_start3A_55] : memref<10000x16xf32, #tpu.memory_space<vmem_shared>> -> memref<10000x16xf32, #tpu.memory_space<vmem_shared>>
      tpu.enqueue_indirect_dma source(%dma_start3A_50 : memref<100x16xf32, #tpu.memory_space<vmem>>) target(%dma_start3A_56 : memref<10000x16xf32, #tpu.memory_space<vmem_shared>>) offsets(%dma_start3A_53 : memref<100xi32, #tpu.memory_space<vmem>>) semaphore(%arg10 : memref<!tpu.dma_semaphore, #tpu.memory_space<semaphore_mem>>) {add = true}
    }
    %scan3A_31 = arith.constant 50 : i32
    %scan3A_32 = arith.constant 0 : i32
    %scan3A_33 = arith.constant 0 : i32
    %scan3A_34 = arith.constant 50 : i32
    %scan3A_35 = arith.addi %scan3A_33, %scan3A_34 : i32
    %scan3A_36 = arith.constant 1 : i32
    scf.for %scan3A_46 = %scan3A_33 to %scan3A_35 step %scan3A_36  : i32 {
      %dma_wait3A_47 = arith.constant 0 : i32
      %dma_wait3A_48 = arith.constant 0 : i32
      %dma_wait3A_49 = arith.constant 0 : i32
      %dma_wait3A_50 = tpu.memref_slice %arg7[%dma_wait3A_48, %dma_wait3A_49] : memref<5000x16xf32, #tpu.memory_space<vmem>> -> memref<100x16xf32, #tpu.memory_space<vmem>>
      %dma_wait3A_51 = arith.constant 0 : i32
      %dma_wait3A_52 = tpu.memref_slice %arg6[%dma_wait3A_47, %dma_wait3A_51] : memref<50x100xi32, #tpu.memory_space<vmem>> -> memref<1x100xi32, #tpu.memory_space<vmem>>
      %dma_wait3A_53 = tpu.memref_squeeze %dma_wait3A_52 : memref<1x100xi32, #tpu.memory_space<vmem>> -> memref<100xi32, #tpu.memory_space<vmem>>
      %dma_wait3A_54 = arith.constant 0 : i32
      %dma_wait3A_55 = arith.constant 0 : i32
      %dma_wait3A_56 = tpu.memref_slice %arg9[%dma_wait3A_54, %dma_wait3A_55] : memref<10000x16xf32, #tpu.memory_space<vmem_shared>> -> memref<10000x16xf32, #tpu.memory_space<vmem_shared>>
      tpu.wait_indirect_dma semaphore(%arg10 : memref<!tpu.dma_semaphore, #tpu.memory_space<semaphore_mem>>) src(%dma_wait3A_50 : memref<100x16xf32, #tpu.memory_space<vmem>>) dst(%dma_wait3A_56 : memref<10000x16xf32, #tpu.memory_space<vmem_shared>>)
    }
    %scan3A_37 = arith.constant 50 : i32
    %barrier3A_38 = arith.constant 0 : index
    tpu.barrier barrier_id(%barrier3A_38)
    %mul3A_39 = arith.constant 625 : i32
    %mul3A_40 = arith.muli %arg1, %mul3A_39 : i32
    "tpu.region"() ({
      %run_scoped3A = tpu.sem_alloc : memref<!tpu.dma_semaphore, #tpu.memory_space<semaphore_mem>>
      %dma_start3A_46 = arith.constant 0 : i32
      %dma_start3A_47 = tpu.memref_slice %arg9[%mul3A_40, %dma_start3A_46] : memref<10000x16xf32, #tpu.memory_space<vmem_shared>> -> memref<625x16xf32, #tpu.memory_space<vmem_shared>>
      %dma_start3A_48 = arith.constant 0 : i32
      %dma_start3A_49 = tpu.memref_slice %arg9[%mul3A_40, %dma_start3A_48] : memref<10000x16xf32, #tpu.memory_space<vmem_shared>> -> memref<625x16xf32, #tpu.memory_space<vmem_shared>>
      tpu.enqueue_dma source(%dma_start3A_49 : memref<625x16xf32, #tpu.memory_space<vmem_shared>>) target(%arg8 : memref<625x16xf32, #tpu.memory_space<vmem>>) target_semaphore(%run_scoped3A : memref<!tpu.dma_semaphore, #tpu.memory_space<semaphore_mem>>)
      %dma_wait3A_50 = arith.constant 0 : i32
      %dma_wait3A_51 = tpu.memref_slice %arg9[%mul3A_40, %dma_wait3A_50] : memref<10000x16xf32, #tpu.memory_space<vmem_shared>> -> memref<625x16xf32, #tpu.memory_space<vmem_shared>>
      %dma_wait3A_52 = arith.constant 0 : i32
      %dma_wait3A_53 = tpu.memref_slice %arg9[%mul3A_40, %dma_wait3A_52] : memref<10000x16xf32, #tpu.memory_space<vmem_shared>> -> memref<625x16xf32, #tpu.memory_space<vmem_shared>>
      tpu.wait_dma2 semaphore(%run_scoped3A : memref<!tpu.dma_semaphore, #tpu.memory_space<semaphore_mem>>) src(%dma_wait3A_53 : memref<625x16xf32, #tpu.memory_space<vmem_shared>>) dst(%arg8 : memref<625x16xf32, #tpu.memory_space<vmem>>)
      tpu.yield
    }) : () -> ()
    %mul3A_41 = arith.constant 10000 : i32
    %mul3A_42 = arith.muli %arg0, %mul3A_41 : i32
    %mul3A_43 = arith.constant 625 : i32
    %mul3A_44 = arith.muli %arg1, %mul3A_43 : i32
    %add3A_45 = arith.addi %mul3A_42, %mul3A_44 : i32
    "tpu.region"() ({
      %run_scoped3A = tpu.sem_alloc : memref<!tpu.dma_semaphore, #tpu.memory_space<semaphore_mem>>
      %dma_start3A_46 = arith.constant 0 : i32
      %dma_start3A_47 = tpu.memref_slice %arg5[%add3A_45, %dma_start3A_46] : memref<20000x16xf32, #tpu.memory_space<hbm>> -> memref<625x16xf32, #tpu.memory_space<hbm>>
      %dma_start3A_48 = arith.constant 0 : i32
      %dma_start3A_49 = tpu.memref_slice %arg5[%add3A_45, %dma_start3A_48] : memref<20000x16xf32, #tpu.memory_space<hbm>> -> memref<625x16xf32, #tpu.memory_space<hbm>>
      tpu.enqueue_dma source(%arg8 : memref<625x16xf32, #tpu.memory_space<vmem>>) target(%dma_start3A_49 : memref<625x16xf32, #tpu.memory_space<hbm>>) target_semaphore(%run_scoped3A : memref<!tpu.dma_semaphore, #tpu.memory_space<semaphore_mem>>)
      %dma_wait3A_50 = arith.constant 0 : i32
      %dma_wait3A_51 = tpu.memref_slice %arg5[%add3A_45, %dma_wait3A_50] : memref<20000x16xf32, #tpu.memory_space<hbm>> -> memref<625x16xf32, #tpu.memory_space<hbm>>
      %dma_wait3A_52 = arith.constant 0 : i32
      %dma_wait3A_53 = tpu.memref_slice %arg5[%add3A_45, %dma_wait3A_52] : memref<20000x16xf32, #tpu.memory_space<hbm>> -> memref<625x16xf32, #tpu.memory_space<hbm>>
      tpu.wait_dma2 semaphore(%run_scoped3A : memref<!tpu.dma_semaphore, #tpu.memory_space<semaphore_mem>>) src(%arg8 : memref<625x16xf32, #tpu.memory_space<vmem>>) dst(%dma_wait3A_53 : memref<625x16xf32, #tpu.memory_space<hbm>>)
      tpu.yield
    }) : () -> ()
    return
  }
}

module attributes {stable_mosaic.version = 14 : i64} {
  func.func @_lin_body(%arg0: memref<1250x1024xf32, #tpu.memory_space<vmem>>, %arg1: memref<1024x128xf32, #tpu.memory_space<vmem>>, %arg2: memref<1x128xf32, #tpu.memory_space<vmem>>, %arg3: memref<1250x128xf32, #tpu.memory_space<vmem>>) attributes {dimension_semantics = [], scalar_prefetch = 0 : i64, scratch_operands = 0 : i64, tpu.core_type = #tpu.core_type<tc>} {
    %get3A = arith.constant 0 : index
    %get3A_0 = arith.constant 0 : index
    %get3A_1 = vector.load %arg0[%get3A, %get3A_0] : memref<1250x1024xf32, #tpu.memory_space<vmem>>, vector<1250x1024xf32>
    %get3A_2 = arith.constant 0 : index
    %get3A_3 = arith.constant 0 : index
    %get3A_4 = vector.load %arg1[%get3A_2, %get3A_3] : memref<1024x128xf32, #tpu.memory_space<vmem>>, vector<1024x128xf32>
    %dot_general3A = arith.constant dense<0.000000e+00> : vector<1250x128xf32>
    %dot_general3A_5 = tpu.matmul %get3A_1, %get3A_4, %dot_general3A {dimension_numbers = #tpu.dot_dimension_numbers<[1], [0], [0], [1], [0, 0, 1, 1], [], []>, transpose_lhs_hint = false} : vector<1250x1024xf32>, vector<1024x128xf32>, vector<1250x128xf32> -> vector<1250x128xf32>
    %get3A_6 = arith.constant 0 : index
    %get3A_7 = arith.constant 0 : index
    %get3A_8 = vector.load %arg2[%get3A_6, %get3A_7] : memref<1x128xf32, #tpu.memory_space<vmem>>, vector<1x128xf32>
    %add3A = vector.broadcast %get3A_8 : vector<1x128xf32> to vector<1250x128xf32>
    %add3A_9 = arith.addf %dot_general3A_5, %add3A : vector<1250x128xf32>
    %swap3A = arith.constant 0 : index
    %swap3A_10 = arith.constant 0 : index
    %swap3A_11 = vector.load %arg3[%swap3A, %swap3A_10] : memref<1250x128xf32, #tpu.memory_space<vmem>>, vector<1250x128xf32>
    tpu.vector_store %arg3[%swap3A, %swap3A_10], %add3A_9 {strides = array<i32>} : memref<1250x128xf32, #tpu.memory_space<vmem>>, vector<1250x128xf32>,
    return
  }
}

module attributes {stable_mosaic.version = 14 : i64} {
  func.func @_edge_body(%arg0: i32, %arg1: memref<1000x128xf32, #tpu.memory_space<vmem>>, %arg2: memref<1000x128xf32, #tpu.memory_space<vmem>>, %arg3: memref<128x128xf32, #tpu.memory_space<vmem>>, %arg4: memref<1x128xf32, #tpu.memory_space<vmem>>, %arg5: memref<128x2048xbf16, #tpu.memory_space<vmem>>, %arg6: memref<128x2048xbf16, #tpu.memory_space<vmem>>, %arg7: memref<2048x128xbf16, #tpu.memory_space<vmem>>, %arg8: memref<128x128xf32, #tpu.memory_space<vmem>>, %arg9: memref<1000x128xf32, #tpu.memory_space<vmem>>) attributes {dimension_semantics = [#tpu.dimension_semantics<arbitrary>], iteration_bounds = array<i64: 20>, scalar_prefetch = 0 : i64, scratch_operands = 0 : i64, tpu.core_type = #tpu.core_type<tc>, window_params = [{transform_indices = @transform_0, window_bounds = array<i64: 1000, 128>}, {transform_indices = @transform_1, window_bounds = array<i64: 1000, 128>}, {pipeline_mode = #tpu.pipeline_mode<synchronous>, transform_indices = @transform_2, window_bounds = array<i64: 128, 128>}, {pipeline_mode = #tpu.pipeline_mode<synchronous>, transform_indices = @transform_3, window_bounds = array<i64: 1, 128>}, {pipeline_mode = #tpu.pipeline_mode<synchronous>, transform_indices = @transform_4, window_bounds = array<i64: 128, 2048>}, {pipeline_mode = #tpu.pipeline_mode<synchronous>, transform_indices = @transform_5, window_bounds = array<i64: 128, 2048>}, {pipeline_mode = #tpu.pipeline_mode<synchronous>, transform_indices = @transform_6, window_bounds = array<i64: 2048, 128>}, {pipeline_mode = #tpu.pipeline_mode<synchronous>, transform_indices = @transform_7, window_bounds = array<i64: 128, 128>}, {transform_indices = @transform_8, window_bounds = array<i64: 1000, 128>}]} {
    %get3A = arith.constant 0 : index
    %get3A_0 = arith.constant 0 : index
    %get3A_1 = vector.load %arg1[%get3A, %get3A_0] : memref<1000x128xf32, #tpu.memory_space<vmem>>, vector<1000x128xf32>
    %get3A_2 = arith.constant 0 : index
    %get3A_3 = arith.constant 0 : index
    %get3A_4 = vector.load %arg2[%get3A_2, %get3A_3] : memref<1000x128xf32, #tpu.memory_space<vmem>>, vector<1000x128xf32>
    %get3A_5 = arith.constant 0 : index
    %get3A_6 = arith.constant 0 : index
    %get3A_7 = vector.load %arg3[%get3A_5, %get3A_6] : memref<128x128xf32, #tpu.memory_space<vmem>>, vector<128x128xf32>
    %dot_general3A = arith.constant dense<0.000000e+00> : vector<1000x128xf32>
    %dot_general3A_8 = tpu.matmul %get3A_1, %get3A_7, %dot_general3A {dimension_numbers = #tpu.dot_dimension_numbers<[1], [0], [0], [1], [0, 0, 1, 1], [], []>, transpose_lhs_hint = false} : vector<1000x128xf32>, vector<128x128xf32>, vector<1000x128xf32> -> vector<1000x128xf32>
    %get3A_9 = arith.constant 0 : index
    %get3A_10 = arith.constant 0 : index
    %get3A_11 = vector.load %arg4[%get3A_9, %get3A_10] : memref<1x128xf32, #tpu.memory_space<vmem>>, vector<1x128xf32>
    %add3A = vector.broadcast %get3A_11 : vector<1x128xf32> to vector<1000x128xf32>
    %add3A_12 = arith.addf %dot_general3A_8, %add3A : vector<1000x128xf32>
    %max3A = arith.constant 0.000000e+00 : f32
    %max3A_13 = vector.broadcast %max3A : f32 to vector<1000x128xf32>
    %max3A_14 = arith.maximumf %add3A_12, %max3A_13 : vector<1000x128xf32>
    %convert_element_type3A = arith.truncf %max3A_14 : vector<1000x128xf32> to vector<1000x128xbf16>
    %get3A_15 = arith.constant 0 : index
    %get3A_16 = arith.constant 0 : index
    %get3A_17 = vector.load %arg5[%get3A_15, %get3A_16] : memref<128x2048xbf16, #tpu.memory_space<vmem>>, vector<128x2048xbf16>
    %dot_general3A_18 = arith.constant dense<0.000000e+00> : vector<1000x2048xf32>
    %dot_general3A_19 = tpu.matmul %convert_element_type3A, %get3A_17, %dot_general3A_18 {dimension_numbers = #tpu.dot_dimension_numbers<[1], [0], [0], [1], [0, 0, 1, 1], [], []>, transpose_lhs_hint = false} : vector<1000x128xbf16>, vector<128x2048xbf16>, vector<1000x2048xf32> -> vector<1000x2048xf32>
    %convert_element_type3A_20 = arith.truncf %dot_general3A_19 : vector<1000x2048xf32> to vector<1000x2048xbf16>
    %convert_element_type3A_21 = arith.truncf %get3A_4 : vector<1000x128xf32> to vector<1000x128xbf16>
    %get3A_22 = arith.constant 0 : index
    %get3A_23 = arith.constant 0 : index
    %get3A_24 = vector.load %arg6[%get3A_22, %get3A_23] : memref<128x2048xbf16, #tpu.memory_space<vmem>>, vector<128x2048xbf16>
    %dot_general3A_25 = arith.constant dense<0.000000e+00> : vector<1000x2048xf32>
    %dot_general3A_26 = tpu.matmul %convert_element_type3A_21, %get3A_24, %dot_general3A_25 {dimension_numbers = #tpu.dot_dimension_numbers<[1], [0], [0], [1], [0, 0, 1, 1], [], []>, transpose_lhs_hint = false} : vector<1000x128xbf16>, vector<128x2048xbf16>, vector<1000x2048xf32> -> vector<1000x2048xf32>
    %convert_element_type3A_27 = arith.truncf %dot_general3A_26 : vector<1000x2048xf32> to vector<1000x2048xbf16>
    %mul3A = arith.mulf %convert_element_type3A_20, %convert_element_type3A_27 : vector<1000x2048xbf16>
    %get3A_28 = arith.constant 0 : index
    %get3A_29 = arith.constant 0 : index
    %get3A_30 = vector.load %arg7[%get3A_28, %get3A_29] : memref<2048x128xbf16, #tpu.memory_space<vmem>>, vector<2048x128xbf16>
    %dot_general3A_31 = arith.constant dense<0.000000e+00> : vector<1000x128xf32>
    %dot_general3A_32 = tpu.matmul %mul3A, %get3A_30, %dot_general3A_31 {dimension_numbers = #tpu.dot_dimension_numbers<[1], [0], [0], [1], [0, 0, 1, 1], [], []>, transpose_lhs_hint = false} : vector<1000x2048xbf16>, vector<2048x128xbf16>, vector<1000x128xf32> -> vector<1000x128xf32>
    %get3A_33 = arith.constant 0 : index
    %get3A_34 = arith.constant 0 : index
    %get3A_35 = vector.load %arg8[%get3A_33, %get3A_34] : memref<128x128xf32, #tpu.memory_space<vmem>>, vector<128x128xf32>
    %dot_general3A_36 = arith.constant dense<0.000000e+00> : vector<1000x128xf32>
    %dot_general3A_37 = tpu.matmul %get3A_4, %get3A_35, %dot_general3A_36 {dimension_numbers = #tpu.dot_dimension_numbers<[1], [0], [0], [1], [0, 0, 1, 1], [], []>, transpose_lhs_hint = false} : vector<1000x128xf32>, vector<128x128xf32>, vector<1000x128xf32> -> vector<1000x128xf32>
    %add3A_38 = arith.addf %dot_general3A_32, %dot_general3A_37 : vector<1000x128xf32>
    %swap3A = arith.constant 0 : index
    %swap3A_39 = arith.constant 0 : index
    %swap3A_40 = vector.load %arg9[%swap3A, %swap3A_39] : memref<1000x128xf32, #tpu.memory_space<vmem>>, vector<1000x128xf32>
    tpu.vector_store %arg9[%swap3A, %swap3A_39], %add3A_38 {strides = array<i32>} : memref<1000x128xf32, #tpu.memory_space<vmem>>, vector<1000x128xf32>,
    return
  }
  func.func @transform_0(%arg0: i32) -> (i32, i32) {
    %c0_i32 = arith.constant 0 : i32
    %c0_i32_0 = arith.constant 0 : i32
    return %arg0, %c0_i32 : i32, i32
  }
  func.func @transform_1(%arg0: i32) -> (i32, i32) {
    %c0_i32 = arith.constant 0 : i32
    %c0_i32_0 = arith.constant 0 : i32
    return %arg0, %c0_i32 : i32, i32
  }
  func.func @transform_2(%arg0: i32) -> (i32, i32) {
    %c0_i32 = arith.constant 0 : i32
    %c0_i32_0 = arith.constant 0 : i32
    %c0_i32_1 = arith.constant 0 : i32
    return %c0_i32, %c0_i32_0 : i32, i32
  }
  func.func @transform_3(%arg0: i32) -> (i32, i32) {
    %c0_i32 = arith.constant 0 : i32
    %c0_i32_0 = arith.constant 0 : i32
    %c0_i32_1 = arith.constant 0 : i32
    return %c0_i32, %c0_i32_0 : i32, i32
  }
  func.func @transform_4(%arg0: i32) -> (i32, i32) {
    %c0_i32 = arith.constant 0 : i32
    %c0_i32_0 = arith.constant 0 : i32
    %c0_i32_1 = arith.constant 0 : i32
    return %c0_i32, %c0_i32_0 : i32, i32
  }
  func.func @transform_5(%arg0: i32) -> (i32, i32) {
    %c0_i32 = arith.constant 0 : i32
    %c0_i32_0 = arith.constant 0 : i32
    %c0_i32_1 = arith.constant 0 : i32
    return %c0_i32, %c0_i32_0 : i32, i32
  }
  func.func @transform_6(%arg0: i32) -> (i32, i32) {
    %c0_i32 = arith.constant 0 : i32
    %c0_i32_0 = arith.constant 0 : i32
    %c0_i32_1 = arith.constant 0 : i32
    return %c0_i32, %c0_i32_0 : i32, i32
  }
  func.func @transform_7(%arg0: i32) -> (i32, i32) {
    %c0_i32 = arith.constant 0 : i32
    %c0_i32_0 = arith.constant 0 : i32
    %c0_i32_1 = arith.constant 0 : i32
    return %c0_i32, %c0_i32_0 : i32, i32
  }
  func.func @transform_8(%arg0: i32) -> (i32, i32) {
    %c0_i32 = arith.constant 0 : i32
    %c0_i32_0 = arith.constant 0 : i32
    return %arg0, %c0_i32 : i32, i32
  }
}

module attributes {stable_mosaic.version = 14 : i64} {
  func.func @_tail_body(%arg0: memref<20000x16xf32, #tpu.memory_space<vmem>>, %arg1: memref<10000x16xf32, #tpu.memory_space<vmem>>, %arg2: memref<10000x1xi32, #tpu.memory_space<vmem>>, %arg3: memref<16x16xf32, #tpu.memory_space<vmem>>, %arg4: memref<16x16xf32, #tpu.memory_space<vmem>>, %arg5: memref<16x16xf32, #tpu.memory_space<vmem>>, %arg6: memref<16x16xf32, #tpu.memory_space<vmem>>, %arg7: memref<16x16xf32, #tpu.memory_space<vmem>>, %arg8: memref<16x16xf32, #tpu.memory_space<vmem>>, %arg9: memref<1x16xf32, #tpu.memory_space<vmem>>, %arg10: memref<1x16xf32, #tpu.memory_space<vmem>>, %arg11: memref<1x16xf32, #tpu.memory_space<vmem>>, %arg12: memref<1x16xf32, #tpu.memory_space<vmem>>, %arg13: memref<32x16xf32, #tpu.memory_space<vmem>>, %arg14: memref<32x16xf32, #tpu.memory_space<vmem>>, %arg15: memref<32x16xf32, #tpu.memory_space<vmem>>, %arg16: memref<32x16xf32, #tpu.memory_space<vmem>>, %arg17: memref<16x16xf32, #tpu.memory_space<vmem>>, %arg18: memref<16x16xf32, #tpu.memory_space<vmem>>, %arg19: memref<16x16xf32, #tpu.memory_space<vmem>>, %arg20: memref<16x16xf32, #tpu.memory_space<vmem>>, %arg21: memref<1x16xf32, #tpu.memory_space<vmem>>, %arg22: memref<1x16xf32, #tpu.memory_space<vmem>>, %arg23: memref<1x16xf32, #tpu.memory_space<vmem>>, %arg24: memref<1x16xf32, #tpu.memory_space<vmem>>, %arg25: memref<64x32xf32, #tpu.memory_space<vmem>>, %arg26: memref<10000x16xf32, #tpu.memory_space<vmem>>) attributes {dimension_semantics = [], scalar_prefetch = 0 : i64, scratch_operands = 0 : i64, tpu.core_type = #tpu.core_type<tc>} {
    %get3A = arith.constant 0 : index
    %get3A_0 = arith.constant 0 : index
    %get3A_1 = vector.load %arg0[%get3A, %get3A_0] : memref<20000x16xf32, #tpu.memory_space<vmem>>, vector<10000x16xf32>
    %get3A_2 = arith.constant 10000 : index
    %get3A_3 = arith.constant 0 : index
    %get3A_4 = vector.load %arg0[%get3A_2, %get3A_3] : memref<20000x16xf32, #tpu.memory_space<vmem>>, vector<10000x16xf32>
    %add3A = arith.addf %get3A_1, %get3A_4 : vector<10000x16xf32>
    %max3A = arith.constant 0.000000e+00 : f32
    %max3A_5 = vector.broadcast %max3A : f32 to vector<10000x16xf32>
    %max3A_6 = arith.maximumf %add3A, %max3A_5 : vector<10000x16xf32>
    %get3A_7 = arith.constant 0 : index
    %get3A_8 = arith.constant 0 : index
    %get3A_9 = vector.load %arg1[%get3A_7, %get3A_8] : memref<10000x16xf32, #tpu.memory_space<vmem>>, vector<10000x16xf32>
    %get3A_10 = arith.constant 0 : index
    %get3A_11 = arith.constant 0 : index
    %get3A_12 = vector.load %arg3[%get3A_10, %get3A_11] : memref<16x16xf32, #tpu.memory_space<vmem>>, vector<16x16xf32>
    %dot_general3A = arith.constant dense<0.000000e+00> : vector<10000x16xf32>
    %dot_general3A_13 = tpu.matmul %max3A_6, %get3A_12, %dot_general3A {dimension_numbers = #tpu.dot_dimension_numbers<[1], [0], [0], [1], [0, 0, 1, 1], [], []>, transpose_lhs_hint = false} : vector<10000x16xf32>, vector<16x16xf32>, vector<10000x16xf32> -> vector<10000x16xf32>
    %get3A_14 = arith.constant 0 : index
    %get3A_15 = arith.constant 0 : index
    %get3A_16 = vector.load %arg6[%get3A_14, %get3A_15] : memref<16x16xf32, #tpu.memory_space<vmem>>, vector<16x16xf32>
    %dot_general3A_17 = arith.constant dense<0.000000e+00> : vector<10000x16xf32>
    %dot_general3A_18 = tpu.matmul %get3A_9, %get3A_16, %dot_general3A_17 {dimension_numbers = #tpu.dot_dimension_numbers<[1], [0], [0], [1], [0, 0, 1, 1], [], []>, transpose_lhs_hint = false} : vector<10000x16xf32>, vector<16x16xf32>, vector<10000x16xf32> -> vector<10000x16xf32>
    %add3A_19 = arith.addf %dot_general3A_13, %dot_general3A_18 : vector<10000x16xf32>
    %get3A_20 = arith.constant 0 : index
    %get3A_21 = arith.constant 0 : index
    %get3A_22 = vector.load %arg9[%get3A_20, %get3A_21] : memref<1x16xf32, #tpu.memory_space<vmem>>, vector<1x16xf32>
    %add3A_23 = vector.broadcast %get3A_22 : vector<1x16xf32> to vector<10000x16xf32>
    %add3A_24 = arith.addf %add3A_19, %add3A_23 : vector<10000x16xf32>
    %logistic3A = arith.negf %add3A_24 : vector<10000x16xf32>
    %logistic3A_25 = math.exp %logistic3A : vector<10000x16xf32>
    %logistic3A_26 = arith.constant 1.000000e+00 : f32
    %logistic3A_27 = vector.broadcast %logistic3A_26 : f32 to vector<10000x16xf32>
    %logistic3A_28 = arith.addf %logistic3A_27, %logistic3A_25 : vector<10000x16xf32>
    %logistic3A_29 = arith.divf %logistic3A_27, %logistic3A_28 : vector<10000x16xf32>
    %get3A_30 = arith.constant 0 : index
    %get3A_31 = arith.constant 0 : index
    %get3A_32 = vector.load %arg4[%get3A_30, %get3A_31] : memref<16x16xf32, #tpu.memory_space<vmem>>, vector<16x16xf32>
    %dot_general3A_33 = arith.constant dense<0.000000e+00> : vector<10000x16xf32>
    %dot_general3A_34 = tpu.matmul %max3A_6, %get3A_32, %dot_general3A_33 {dimension_numbers = #tpu.dot_dimension_numbers<[1], [0], [0], [1], [0, 0, 1, 1], [], []>, transpose_lhs_hint = false} : vector<10000x16xf32>, vector<16x16xf32>, vector<10000x16xf32> -> vector<10000x16xf32>
    %get3A_35 = arith.constant 0 : index
    %get3A_36 = arith.constant 0 : index
    %get3A_37 = vector.load %arg7[%get3A_35, %get3A_36] : memref<16x16xf32, #tpu.memory_space<vmem>>, vector<16x16xf32>
    %dot_general3A_38 = arith.constant dense<0.000000e+00> : vector<10000x16xf32>
    %dot_general3A_39 = tpu.matmul %get3A_9, %get3A_37, %dot_general3A_38 {dimension_numbers = #tpu.dot_dimension_numbers<[1], [0], [0], [1], [0, 0, 1, 1], [], []>, transpose_lhs_hint = false} : vector<10000x16xf32>, vector<16x16xf32>, vector<10000x16xf32> -> vector<10000x16xf32>
    %add3A_40 = arith.addf %dot_general3A_34, %dot_general3A_39 : vector<10000x16xf32>
    %get3A_41 = arith.constant 0 : index
    %get3A_42 = arith.constant 0 : index
    %get3A_43 = vector.load %arg10[%get3A_41, %get3A_42] : memref<1x16xf32, #tpu.memory_space<vmem>>, vector<1x16xf32>
    %add3A_44 = vector.broadcast %get3A_43 : vector<1x16xf32> to vector<10000x16xf32>
    %add3A_45 = arith.addf %add3A_40, %add3A_44 : vector<10000x16xf32>
    %logistic3A_46 = arith.negf %add3A_45 : vector<10000x16xf32>
    %logistic3A_47 = math.exp %logistic3A_46 : vector<10000x16xf32>
    %logistic3A_48 = arith.constant 1.000000e+00 : f32
    %logistic3A_49 = vector.broadcast %logistic3A_48 : f32 to vector<10000x16xf32>
    %logistic3A_50 = arith.addf %logistic3A_49, %logistic3A_47 : vector<10000x16xf32>
    %logistic3A_51 = arith.divf %logistic3A_49, %logistic3A_50 : vector<10000x16xf32>
    %get3A_52 = arith.constant 0 : index
    %get3A_53 = arith.constant 0 : index
    %get3A_54 = vector.load %arg5[%get3A_52, %get3A_53] : memref<16x16xf32, #tpu.memory_space<vmem>>, vector<16x16xf32>
    %dot_general3A_55 = arith.constant dense<0.000000e+00> : vector<10000x16xf32>
    %dot_general3A_56 = tpu.matmul %max3A_6, %get3A_54, %dot_general3A_55 {dimension_numbers = #tpu.dot_dimension_numbers<[1], [0], [0], [1], [0, 0, 1, 1], [], []>, transpose_lhs_hint = false} : vector<10000x16xf32>, vector<16x16xf32>, vector<10000x16xf32> -> vector<10000x16xf32>
    %get3A_57 = arith.constant 0 : index
    %get3A_58 = arith.constant 0 : index
    %get3A_59 = vector.load %arg11[%get3A_57, %get3A_58] : memref<1x16xf32, #tpu.memory_space<vmem>>, vector<1x16xf32>
    %add3A_60 = vector.broadcast %get3A_59 : vector<1x16xf32> to vector<10000x16xf32>
    %add3A_61 = arith.addf %dot_general3A_56, %add3A_60 : vector<10000x16xf32>
    %get3A_62 = arith.constant 0 : index
    %get3A_63 = arith.constant 0 : index
    %get3A_64 = vector.load %arg8[%get3A_62, %get3A_63] : memref<16x16xf32, #tpu.memory_space<vmem>>, vector<16x16xf32>
    %dot_general3A_65 = arith.constant dense<0.000000e+00> : vector<10000x16xf32>
    %dot_general3A_66 = tpu.matmul %get3A_9, %get3A_64, %dot_general3A_65 {dimension_numbers = #tpu.dot_dimension_numbers<[1], [0], [0], [1], [0, 0, 1, 1], [], []>, transpose_lhs_hint = false} : vector<10000x16xf32>, vector<16x16xf32>, vector<10000x16xf32> -> vector<10000x16xf32>
    %get3A_67 = arith.constant 0 : index
    %get3A_68 = arith.constant 0 : index
    %get3A_69 = vector.load %arg12[%get3A_67, %get3A_68] : memref<1x16xf32, #tpu.memory_space<vmem>>, vector<1x16xf32>
    %add3A_70 = vector.broadcast %get3A_69 : vector<1x16xf32> to vector<10000x16xf32>
    %add3A_71 = arith.addf %dot_general3A_66, %add3A_70 : vector<10000x16xf32>
    %mul3A = arith.mulf %logistic3A_29, %add3A_71 : vector<10000x16xf32>
    %add3A_72 = arith.addf %add3A_61, %mul3A : vector<10000x16xf32>
    %tanh3A = math.tanh %add3A_72 : vector<10000x16xf32>
    %sub3A = arith.constant 1.000000e+00 : f32
    %sub3A_73 = vector.broadcast %sub3A : f32 to vector<10000x16xf32>
    %sub3A_74 = arith.subf %sub3A_73, %logistic3A_51 : vector<10000x16xf32>
    %mul3A_75 = arith.mulf %sub3A_74, %tanh3A : vector<10000x16xf32>
    %mul3A_76 = arith.mulf %logistic3A_51, %get3A_9 : vector<10000x16xf32>
    %add3A_77 = arith.addf %mul3A_75, %mul3A_76 : vector<10000x16xf32>
    %swap3A = arith.constant 0 : index
    %swap3A_78 = arith.constant 0 : index
    %swap3A_79 = vector.load %arg26[%swap3A, %swap3A_78] : memref<10000x16xf32, #tpu.memory_space<vmem>>, vector<10000x16xf32>
    tpu.vector_store %arg26[%swap3A, %swap3A_78], %add3A_77 {strides = array<i32>} : memref<10000x16xf32, #tpu.memory_space<vmem>>, vector<10000x16xf32>,
    %get3A_80 = arith.constant 0 : index
    %get3A_81 = arith.constant 0 : index
    %get3A_82 = vector.load %arg2[%get3A_80, %get3A_81] : memref<10000x1xi32, #tpu.memory_space<vmem>>, vector<10000x1xi32>
    %iota3A = tpu.iota {dimensions = array<i32: 1>} : vector<10000x64xi32>
    %eq3A = vector.broadcast %get3A_82 : vector<10000x1xi32> to vector<10000x64xi32>
    %eq3A_83 = arith.cmpi eq, %eq3A, %iota3A : vector<10000x64xi32>
    %convert_element_type3A = arith.extui %eq3A_83 : vector<10000x64xi1> to vector<10000x64xi32>
    %convert_element_type3A_84 = arith.sitofp %convert_element_type3A : vector<10000x64xi32> to vector<10000x64xf32>
    %broadcast_in_dim3A = arith.constant 0.000000e+00 : f32
    %broadcast_in_dim3A_85 = vector.broadcast %broadcast_in_dim3A : f32 to vector<64x32xf32>
    %broadcast_in_dim3A_86 = arith.constant 0.000000e+00 : f32
    %broadcast_in_dim3A_87 = vector.broadcast %broadcast_in_dim3A_86 : f32 to vector<64x16xf32>
    %broadcast_in_dim3A_88 = arith.constant 0.000000e+00 : f32
    %broadcast_in_dim3A_89 = vector.broadcast %broadcast_in_dim3A_88 : f32 to vector<64x16xf32>
    %get3A_90 = arith.constant 0 : index
    %get3A_91 = arith.constant 0 : index
    %get3A_92 = vector.load %arg13[%get3A_90, %get3A_91] : memref<32x16xf32, #tpu.memory_space<vmem>>, vector<32x16xf32>
    %dot_general3A_93 = arith.constant dense<0.000000e+00> : vector<64x16xf32>
    %dot_general3A_94 = tpu.matmul %broadcast_in_dim3A_85, %get3A_92, %dot_general3A_93 {dimension_numbers = #tpu.dot_dimension_numbers<[1], [0], [0], [1], [0, 0, 1, 1], [], []>, transpose_lhs_hint = false} : vector<64x32xf32>, vector<32x16xf32>, vector<64x16xf32> -> vector<64x16xf32>
    %get3A_95 = arith.constant 0 : index
    %get3A_96 = arith.constant 0 : index
    %get3A_97 = vector.load %arg17[%get3A_95, %get3A_96] : memref<16x16xf32, #tpu.memory_space<vmem>>, vector<16x16xf32>
    %dot_general3A_98 = arith.constant dense<0.000000e+00> : vector<64x16xf32>
    %dot_general3A_99 = tpu.matmul %broadcast_in_dim3A_87, %get3A_97, %dot_general3A_98 {dimension_numbers = #tpu.dot_dimension_numbers<[1], [0], [0], [1], [0, 0, 1, 1], [], []>, transpose_lhs_hint = false} : vector<64x16xf32>, vector<16x16xf32>, vector<64x16xf32> -> vector<64x16xf32>
    %add3A_100 = arith.addf %dot_general3A_94, %dot_general3A_99 : vector<64x16xf32>
    %get3A_101 = arith.constant 0 : index
    %get3A_102 = arith.constant 0 : index
    %get3A_103 = vector.load %arg21[%get3A_101, %get3A_102] : memref<1x16xf32, #tpu.memory_space<vmem>>, vector<1x16xf32>
    %add3A_104 = vector.broadcast %get3A_103 : vector<1x16xf32> to vector<64x16xf32>
    %add3A_105 = arith.addf %add3A_100, %add3A_104 : vector<64x16xf32>
    %logistic3A_106 = arith.negf %add3A_105 : vector<64x16xf32>
    %logistic3A_107 = math.exp %logistic3A_106 : vector<64x16xf32>
    %logistic3A_108 = arith.constant 1.000000e+00 : f32
    %logistic3A_109 = vector.broadcast %logistic3A_108 : f32 to vector<64x16xf32>
    %logistic3A_110 = arith.addf %logistic3A_109, %logistic3A_107 : vector<64x16xf32>
    %logistic3A_111 = arith.divf %logistic3A_109, %logistic3A_110 : vector<64x16xf32>
    %get3A_112 = arith.constant 0 : index
    %get3A_113 = arith.constant 0 : index
    %get3A_114 = vector.load %arg14[%get3A_112, %get3A_113] : memref<32x16xf32, #tpu.memory_space<vmem>>, vector<32x16xf32>
    %dot_general3A_115 = arith.constant dense<0.000000e+00> : vector<64x16xf32>
    %dot_general3A_116 = tpu.matmul %broadcast_in_dim3A_85, %get3A_114, %dot_general3A_115 {dimension_numbers = #tpu.dot_dimension_numbers<[1], [0], [0], [1], [0, 0, 1, 1], [], []>, transpose_lhs_hint = false} : vector<64x32xf32>, vector<32x16xf32>, vector<64x16xf32> -> vector<64x16xf32>
    %get3A_117 = arith.constant 0 : index
    %get3A_118 = arith.constant 0 : index
    %get3A_119 = vector.load %arg18[%get3A_117, %get3A_118] : memref<16x16xf32, #tpu.memory_space<vmem>>, vector<16x16xf32>
    %dot_general3A_120 = arith.constant dense<0.000000e+00> : vector<64x16xf32>
    %dot_general3A_121 = tpu.matmul %broadcast_in_dim3A_87, %get3A_119, %dot_general3A_120 {dimension_numbers = #tpu.dot_dimension_numbers<[1], [0], [0], [1], [0, 0, 1, 1], [], []>, transpose_lhs_hint = false} : vector<64x16xf32>, vector<16x16xf32>, vector<64x16xf32> -> vector<64x16xf32>
    %add3A_122 = arith.addf %dot_general3A_116, %dot_general3A_121 : vector<64x16xf32>
    %get3A_123 = arith.constant 0 : index
    %get3A_124 = arith.constant 0 : index
    %get3A_125 = vector.load %arg22[%get3A_123, %get3A_124] : memref<1x16xf32, #tpu.memory_space<vmem>>, vector<1x16xf32>
    %add3A_126 = vector.broadcast %get3A_125 : vector<1x16xf32> to vector<64x16xf32>
    %add3A_127 = arith.addf %add3A_122, %add3A_126 : vector<64x16xf32>
    %logistic3A_128 = arith.negf %add3A_127 : vector<64x16xf32>
    %logistic3A_129 = math.exp %logistic3A_128 : vector<64x16xf32>
    %logistic3A_130 = arith.constant 1.000000e+00 : f32
    %logistic3A_131 = vector.broadcast %logistic3A_130 : f32 to vector<64x16xf32>
    %logistic3A_132 = arith.addf %logistic3A_131, %logistic3A_129 : vector<64x16xf32>
    %logistic3A_133 = arith.divf %logistic3A_131, %logistic3A_132 : vector<64x16xf32>
    %get3A_134 = arith.constant 0 : index
    %get3A_135 = arith.constant 0 : index
    %get3A_136 = vector.load %arg15[%get3A_134, %get3A_135] : memref<32x16xf32, #tpu.memory_space<vmem>>, vector<32x16xf32>
    %dot_general3A_137 = arith.constant dense<0.000000e+00> : vector<64x16xf32>
    %dot_general3A_138 = tpu.matmul %broadcast_in_dim3A_85, %get3A_136, %dot_general3A_137 {dimension_numbers = #tpu.dot_dimension_numbers<[1], [0], [0], [1], [0, 0, 1, 1], [], []>, transpose_lhs_hint = false} : vector<64x32xf32>, vector<32x16xf32>, vector<64x16xf32> -> vector<64x16xf32>
    %get3A_139 = arith.constant 0 : index
    %get3A_140 = arith.constant 0 : index
    %get3A_141 = vector.load %arg19[%get3A_139, %get3A_140] : memref<16x16xf32, #tpu.memory_space<vmem>>, vector<16x16xf32>
    %dot_general3A_142 = arith.constant dense<0.000000e+00> : vector<64x16xf32>
    %dot_general3A_143 = tpu.matmul %broadcast_in_dim3A_87, %get3A_141, %dot_general3A_142 {dimension_numbers = #tpu.dot_dimension_numbers<[1], [0], [0], [1], [0, 0, 1, 1], [], []>, transpose_lhs_hint = false} : vector<64x16xf32>, vector<16x16xf32>, vector<64x16xf32> -> vector<64x16xf32>
    %add3A_144 = arith.addf %dot_general3A_138, %dot_general3A_143 : vector<64x16xf32>
    %get3A_145 = arith.constant 0 : index
    %get3A_146 = arith.constant 0 : index
    %get3A_147 = vector.load %arg23[%get3A_145, %get3A_146] : memref<1x16xf32, #tpu.memory_space<vmem>>, vector<1x16xf32>
    %add3A_148 = vector.broadcast %get3A_147 : vector<1x16xf32> to vector<64x16xf32>
    %add3A_149 = arith.addf %add3A_144, %add3A_148 : vector<64x16xf32>
    %tanh3A_150 = math.tanh %add3A_149 : vector<64x16xf32>
    %get3A_151 = arith.constant 0 : index
    %get3A_152 = arith.constant 0 : index
    %get3A_153 = vector.load %arg16[%get3A_151, %get3A_152] : memref<32x16xf32, #tpu.memory_space<vmem>>, vector<32x16xf32>
    %dot_general3A_154 = arith.constant dense<0.000000e+00> : vector<64x16xf32>
    %dot_general3A_155 = tpu.matmul %broadcast_in_dim3A_85, %get3A_153, %dot_general3A_154 {dimension_numbers = #tpu.dot_dimension_numbers<[1], [0], [0], [1], [0, 0, 1, 1], [], []>, transpose_lhs_hint = false} : vector<64x32xf32>, vector<32x16xf32>, vector<64x16xf32> -> vector<64x16xf32>
    %get3A_156 = arith.constant 0 : index
    %get3A_157 = arith.constant 0 : index
    %get3A_158 = vector.load %arg20[%get3A_156, %get3A_157] : memref<16x16xf32, #tpu.memory_space<vmem>>, vector<16x16xf32>
    %dot_general3A_159 = arith.constant dense<0.000000e+00> : vector<64x16xf32>
    %dot_general3A_160 = tpu.matmul %broadcast_in_dim3A_87, %get3A_158, %dot_general3A_159 {dimension_numbers = #tpu.dot_dimension_numbers<[1], [0], [0], [1], [0, 0, 1, 1], [], []>, transpose_lhs_hint = false} : vector<64x16xf32>, vector<16x16xf32>, vector<64x16xf32> -> vector<64x16xf32>
    %add3A_161 = arith.addf %dot_general3A_155, %dot_general3A_160 : vector<64x16xf32>
    %get3A_162 = arith.constant 0 : index
    %get3A_163 = arith.constant 0 : index
    %get3A_164 = vector.load %arg24[%get3A_162, %get3A_163] : memref<1x16xf32, #tpu.memory_space<vmem>>, vector<1x16xf32>
    %add3A_165 = vector.broadcast %get3A_164 : vector<1x16xf32> to vector<64x16xf32>
    %add3A_166 = arith.addf %add3A_161, %add3A_165 : vector<64x16xf32>
    %logistic3A_167 = arith.negf %add3A_166 : vector<64x16xf32>
    %logistic3A_168 = math.exp %logistic3A_167 : vector<64x16xf32>
    %logistic3A_169 = arith.constant 1.000000e+00 : f32
    %logistic3A_170 = vector.broadcast %logistic3A_169 : f32 to vector<64x16xf32>
    %logistic3A_171 = arith.addf %logistic3A_170, %logistic3A_168 : vector<64x16xf32>
    %logistic3A_172 = arith.divf %logistic3A_170, %logistic3A_171 : vector<64x16xf32>
    %mul3A_173 = arith.mulf %logistic3A_133, %broadcast_in_dim3A_89 : vector<64x16xf32>
    %mul3A_174 = arith.mulf %logistic3A_111, %tanh3A_150 : vector<64x16xf32>
    %add3A_175 = arith.addf %mul3A_173, %mul3A_174 : vector<64x16xf32>
    %tanh3A_176 = math.tanh %add3A_175 : vector<64x16xf32>
    %mul3A_177 = arith.mulf %logistic3A_172, %tanh3A_176 : vector<64x16xf32>
    %dot_general3A_178 = arith.constant dense<0.000000e+00> : vector<10000x16xf32>
    %dot_general3A_179 = tpu.matmul %convert_element_type3A_84, %mul3A_177, %dot_general3A_178 {dimension_numbers = #tpu.dot_dimension_numbers<[1], [0], [0], [1], [0, 0, 1, 1], [], []>, transpose_lhs_hint = false} : vector<10000x64xf32>, vector<64x16xf32>, vector<10000x16xf32> -> vector<10000x16xf32>
    %mul3A_180 = arith.mulf %add3A_77, %dot_general3A_179 : vector<10000x16xf32>
    %reduce_sum3A = arith.constant dense<0.000000e+00> : vector<10000xf32>
    %reduce_sum3A_181 = vector.multi_reduction <add>, %mul3A_180, %reduce_sum3A [1] : vector<10000x16xf32> to vector<10000xf32>
    %broadcast_in_dim3A_182 = vector.shape_cast %reduce_sum3A_181 : vector<10000xf32> to vector<10000x1xf32>
    %jit3A = arith.constant 0xFF800000 : f32
    %broadcast_in_dim3A_183 = vector.shape_cast %broadcast_in_dim3A_182 : vector<10000x1xf32> to vector<10000x1xf32>
    %broadcast_in_dim3A_184 = vector.broadcast %broadcast_in_dim3A_183 : vector<10000x1xf32> to vector<10000x64xf32>
    %broadcast_in_dim3A_185 = vector.broadcast %jit3A : f32 to vector<10000x64xf32>
    %select_n3A = arith.select %eq3A_83, %broadcast_in_dim3A_184, %broadcast_in_dim3A_185 : vector<10000x64xi1>, vector<10000x64xf32>
    %reduce_max3A = arith.constant dense<0xFF800000> : vector<64xf32>
    %reduce_max3A_186 = vector.multi_reduction <maximumf>, %select_n3A, %reduce_max3A [0] : vector<10000x64xf32> to vector<64xf32>
    %broadcast_in_dim3A_187 = vector.shape_cast %reduce_max3A_186 : vector<64xf32> to vector<1x64xf32>
    %gt3A = arith.constant 0xFF800000 : f32
    %gt3A_188 = vector.broadcast %gt3A : f32 to vector<1x64xf32>
    %gt3A_189 = arith.cmpf ogt, %broadcast_in_dim3A_187, %gt3A_188 : vector<1x64xf32>
    %jit3A_190 = arith.constant 0.000000e+00 : f32
    %broadcast_in_dim3A_191 = vector.broadcast %jit3A_190 : f32 to vector<1x64xf32>
    %select_n3A_192 = arith.select %gt3A_189, %broadcast_in_dim3A_187, %broadcast_in_dim3A_191 : vector<1x64xi1>, vector<1x64xf32>
    %sub3A_193 = vector.broadcast %broadcast_in_dim3A_182 : vector<10000x1xf32> to vector<10000x64xf32>
    %sub3A_194 = vector.broadcast %select_n3A_192 : vector<1x64xf32> to vector<10000x64xf32>
    %sub3A_195 = arith.subf %sub3A_193, %sub3A_194 : vector<10000x64xf32>
    %exp3A = math.exp %sub3A_195 : vector<10000x64xf32>
    %jit3A_196 = arith.constant 0.000000e+00 : f32
    %broadcast_in_dim3A_197 = vector.broadcast %jit3A_196 : f32 to vector<10000x64xf32>
    %select_n3A_198 = arith.select %eq3A_83, %exp3A, %broadcast_in_dim3A_197 : vector<10000x64xi1>, vector<10000x64xf32>
    %reduce_sum3A_199 = arith.constant dense<0.000000e+00> : vector<64xf32>
    %reduce_sum3A_200 = vector.multi_reduction <add>, %select_n3A_198, %reduce_sum3A_199 [0] : vector<10000x64xf32> to vector<64xf32>
    %broadcast_in_dim3A_201 = vector.shape_cast %reduce_sum3A_200 : vector<64xf32> to vector<1x64xf32>
    %add3A_202 = arith.constant 9.99999996E-13 : f32
    %add3A_203 = vector.broadcast %add3A_202 : f32 to vector<1x64xf32>
    %add3A_204 = arith.addf %broadcast_in_dim3A_201, %add3A_203 : vector<1x64xf32>
    %div3A = vector.broadcast %add3A_204 : vector<1x64xf32> to vector<10000x64xf32>
    %div3A_205 = arith.divf %select_n3A_198, %div3A : vector<10000x64xf32>
    %dot_general3A_206 = arith.constant dense<0.000000e+00> : vector<64x16xf32>
    %dot_general3A_207 = tpu.matmul %div3A_205, %add3A_77, %dot_general3A_206 {dimension_numbers = #tpu.dot_dimension_numbers<[0], [0], [1], [1], [0, 1, 1, 1], [], []>, transpose_lhs_hint = false} : vector<10000x64xf32>, vector<10000x16xf32>, vector<64x16xf32> -> vector<64x16xf32>
    %concatenate3A = tpu.concatenate %mul3A_177, %dot_general3A_207 in 1 : vector<64x16xf32>, vector<64x16xf32> -> vector<64x32xf32>
    %get3A_208 = arith.constant 0 : index
    %get3A_209 = arith.constant 0 : index
    %get3A_210 = vector.load %arg13[%get3A_208, %get3A_209] : memref<32x16xf32, #tpu.memory_space<vmem>>, vector<32x16xf32>
    %dot_general3A_211 = arith.constant dense<0.000000e+00> : vector<64x16xf32>
    %dot_general3A_212 = tpu.matmul %concatenate3A, %get3A_210, %dot_general3A_211 {dimension_numbers = #tpu.dot_dimension_numbers<[1], [0], [0], [1], [0, 0, 1, 1], [], []>, transpose_lhs_hint = false} : vector<64x32xf32>, vector<32x16xf32>, vector<64x16xf32> -> vector<64x16xf32>
    %get3A_213 = arith.constant 0 : index
    %get3A_214 = arith.constant 0 : index
    %get3A_215 = vector.load %arg17[%get3A_213, %get3A_214] : memref<16x16xf32, #tpu.memory_space<vmem>>, vector<16x16xf32>
    %dot_general3A_216 = arith.constant dense<0.000000e+00> : vector<64x16xf32>
    %dot_general3A_217 = tpu.matmul %mul3A_177, %get3A_215, %dot_general3A_216 {dimension_numbers = #tpu.dot_dimension_numbers<[1], [0], [0], [1], [0, 0, 1, 1], [], []>, transpose_lhs_hint = false} : vector<64x16xf32>, vector<16x16xf32>, vector<64x16xf32> -> vector<64x16xf32>
    %add3A_218 = arith.addf %dot_general3A_212, %dot_general3A_217 : vector<64x16xf32>
    %get3A_219 = arith.constant 0 : index
    %get3A_220 = arith.constant 0 : index
    %get3A_221 = vector.load %arg21[%get3A_219, %get3A_220] : memref<1x16xf32, #tpu.memory_space<vmem>>, vector<1x16xf32>
    %add3A_222 = vector.broadcast %get3A_221 : vector<1x16xf32> to vector<64x16xf32>
    %add3A_223 = arith.addf %add3A_218, %add3A_222 : vector<64x16xf32>
    %logistic3A_224 = arith.negf %add3A_223 : vector<64x16xf32>
    %logistic3A_225 = math.exp %logistic3A_224 : vector<64x16xf32>
    %logistic3A_226 = arith.constant 1.000000e+00 : f32
    %logistic3A_227 = vector.broadcast %logistic3A_226 : f32 to vector<64x16xf32>
    %logistic3A_228 = arith.addf %logistic3A_227, %logistic3A_225 : vector<64x16xf32>
    %logistic3A_229 = arith.divf %logistic3A_227, %logistic3A_228 : vector<64x16xf32>
    %get3A_230 = arith.constant 0 : index
    %get3A_231 = arith.constant 0 : index
    %get3A_232 = vector.load %arg14[%get3A_230, %get3A_231] : memref<32x16xf32, #tpu.memory_space<vmem>>, vector<32x16xf32>
    %dot_general3A_233 = arith.constant dense<0.000000e+00> : vector<64x16xf32>
    %dot_general3A_234 = tpu.matmul %concatenate3A, %get3A_232, %dot_general3A_233 {dimension_numbers = #tpu.dot_dimension_numbers<[1], [0], [0], [1], [0, 0, 1, 1], [], []>, transpose_lhs_hint = false} : vector<64x32xf32>, vector<32x16xf32>, vector<64x16xf32> -> vector<64x16xf32>
    %get3A_235 = arith.constant 0 : index
    %get3A_236 = arith.constant 0 : index
    %get3A_237 = vector.load %arg18[%get3A_235, %get3A_236] : memref<16x16xf32, #tpu.memory_space<vmem>>, vector<16x16xf32>
    %dot_general3A_238 = arith.constant dense<0.000000e+00> : vector<64x16xf32>
    %dot_general3A_239 = tpu.matmul %mul3A_177, %get3A_237, %dot_general3A_238 {dimension_numbers = #tpu.dot_dimension_numbers<[1], [0], [0], [1], [0, 0, 1, 1], [], []>, transpose_lhs_hint = false} : vector<64x16xf32>, vector<16x16xf32>, vector<64x16xf32> -> vector<64x16xf32>
    %add3A_240 = arith.addf %dot_general3A_234, %dot_general3A_239 : vector<64x16xf32>
    %get3A_241 = arith.constant 0 : index
    %get3A_242 = arith.constant 0 : index
    %get3A_243 = vector.load %arg22[%get3A_241, %get3A_242] : memref<1x16xf32, #tpu.memory_space<vmem>>, vector<1x16xf32>
    %add3A_244 = vector.broadcast %get3A_243 : vector<1x16xf32> to vector<64x16xf32>
    %add3A_245 = arith.addf %add3A_240, %add3A_244 : vector<64x16xf32>
    %logistic3A_246 = arith.negf %add3A_245 : vector<64x16xf32>
    %logistic3A_247 = math.exp %logistic3A_246 : vector<64x16xf32>
    %logistic3A_248 = arith.constant 1.000000e+00 : f32
    %logistic3A_249 = vector.broadcast %logistic3A_248 : f32 to vector<64x16xf32>
    %logistic3A_250 = arith.addf %logistic3A_249, %logistic3A_247 : vector<64x16xf32>
    %logistic3A_251 = arith.divf %logistic3A_249, %logistic3A_250 : vector<64x16xf32>
    %get3A_252 = arith.constant 0 : index
    %get3A_253 = arith.constant 0 : index
    %get3A_254 = vector.load %arg15[%get3A_252, %get3A_253] : memref<32x16xf32, #tpu.memory_space<vmem>>, vector<32x16xf32>
    %dot_general3A_255 = arith.constant dense<0.000000e+00> : vector<64x16xf32>
    %dot_general3A_256 = tpu.matmul %concatenate3A, %get3A_254, %dot_general3A_255 {dimension_numbers = #tpu.dot_dimension_numbers<[1], [0], [0], [1], [0, 0, 1, 1], [], []>, transpose_lhs_hint = false} : vector<64x32xf32>, vector<32x16xf32>, vector<64x16xf32> -> vector<64x16xf32>
    %get3A_257 = arith.constant 0 : index
    %get3A_258 = arith.constant 0 : index
    %get3A_259 = vector.load %arg19[%get3A_257, %get3A_258] : memref<16x16xf32, #tpu.memory_space<vmem>>, vector<16x16xf32>
    %dot_general3A_260 = arith.constant dense<0.000000e+00> : vector<64x16xf32>
    %dot_general3A_261 = tpu.matmul %mul3A_177, %get3A_259, %dot_general3A_260 {dimension_numbers = #tpu.dot_dimension_numbers<[1], [0], [0], [1], [0, 0, 1, 1], [], []>, transpose_lhs_hint = false} : vector<64x16xf32>, vector<16x16xf32>, vector<64x16xf32> -> vector<64x16xf32>
    %add3A_262 = arith.addf %dot_general3A_256, %dot_general3A_261 : vector<64x16xf32>
    %get3A_263 = arith.constant 0 : index
    %get3A_264 = arith.constant 0 : index
    %get3A_265 = vector.load %arg23[%get3A_263, %get3A_264] : memref<1x16xf32, #tpu.memory_space<vmem>>, vector<1x16xf32>
    %add3A_266 = vector.broadcast %get3A_265 : vector<1x16xf32> to vector<64x16xf32>
    %add3A_267 = arith.addf %add3A_262, %add3A_266 : vector<64x16xf32>
    %tanh3A_268 = math.tanh %add3A_267 : vector<64x16xf32>
    %get3A_269 = arith.constant 0 : index
    %get3A_270 = arith.constant 0 : index
    %get3A_271 = vector.load %arg16[%get3A_269, %get3A_270] : memref<32x16xf32, #tpu.memory_space<vmem>>, vector<32x16xf32>
    %dot_general3A_272 = arith.constant dense<0.000000e+00> : vector<64x16xf32>
    %dot_general3A_273 = tpu.matmul %concatenate3A, %get3A_271, %dot_general3A_272 {dimension_numbers = #tpu.dot_dimension_numbers<[1], [0], [0], [1], [0, 0, 1, 1], [], []>, transpose_lhs_hint = false} : vector<64x32xf32>, vector<32x16xf32>, vector<64x16xf32> -> vector<64x16xf32>
    %get3A_274 = arith.constant 0 : index
    %get3A_275 = arith.constant 0 : index
    %get3A_276 = vector.load %arg20[%get3A_274, %get3A_275] : memref<16x16xf32, #tpu.memory_space<vmem>>, vector<16x16xf32>
    %dot_general3A_277 = arith.constant dense<0.000000e+00> : vector<64x16xf32>
    %dot_general3A_278 = tpu.matmul %mul3A_177, %get3A_276, %dot_general3A_277 {dimension_numbers = #tpu.dot_dimension_numbers<[1], [0], [0], [1], [0, 0, 1, 1], [], []>, transpose_lhs_hint = false} : vector<64x16xf32>, vector<16x16xf32>, vector<64x16xf32> -> vector<64x16xf32>
    %add3A_279 = arith.addf %dot_general3A_273, %dot_general3A_278 : vector<64x16xf32>
    %get3A_280 = arith.constant 0 : index
    %get3A_281 = arith.constant 0 : index
    %get3A_282 = vector.load %arg24[%get3A_280, %get3A_281] : memref<1x16xf32, #tpu.memory_space<vmem>>, vector<1x16xf32>
    %add3A_283 = vector.broadcast %get3A_282 : vector<1x16xf32> to vector<64x16xf32>
    %add3A_284 = arith.addf %add3A_279, %add3A_283 : vector<64x16xf32>
    %logistic3A_285 = arith.negf %add3A_284 : vector<64x16xf32>
    %logistic3A_286 = math.exp %logistic3A_285 : vector<64x16xf32>
    %logistic3A_287 = arith.constant 1.000000e+00 : f32
    %logistic3A_288 = vector.broadcast %logistic3A_287 : f32 to vector<64x16xf32>
    %logistic3A_289 = arith.addf %logistic3A_288, %logistic3A_286 : vector<64x16xf32>
    %logistic3A_290 = arith.divf %logistic3A_288, %logistic3A_289 : vector<64x16xf32>
    %mul3A_291 = arith.mulf %logistic3A_251, %add3A_175 : vector<64x16xf32>
    %mul3A_292 = arith.mulf %logistic3A_229, %tanh3A_268 : vector<64x16xf32>
    %add3A_293 = arith.addf %mul3A_291, %mul3A_292 : vector<64x16xf32>
    %tanh3A_294 = math.tanh %add3A_293 : vector<64x16xf32>
    %mul3A_295 = arith.mulf %logistic3A_290, %tanh3A_294 : vector<64x16xf32>
    %dot_general3A_296 = arith.constant dense<0.000000e+00> : vector<10000x16xf32>
    %dot_general3A_297 = tpu.matmul %convert_element_type3A_84, %mul3A_295, %dot_general3A_296 {dimension_numbers = #tpu.dot_dimension_numbers<[1], [0], [0], [1], [0, 0, 1, 1], [], []>, transpose_lhs_hint = false} : vector<10000x64xf32>, vector<64x16xf32>, vector<10000x16xf32> -> vector<10000x16xf32>
    %mul3A_298 = arith.mulf %add3A_77, %dot_general3A_297 : vector<10000x16xf32>
    %reduce_sum3A_299 = arith.constant dense<0.000000e+00> : vector<10000xf32>
    %reduce_sum3A_300 = vector.multi_reduction <add>, %mul3A_298, %reduce_sum3A_299 [1] : vector<10000x16xf32> to vector<10000xf32>
    %broadcast_in_dim3A_301 = vector.shape_cast %reduce_sum3A_300 : vector<10000xf32> to vector<10000x1xf32>
    %jit3A_302 = arith.constant 0xFF800000 : f32
    %broadcast_in_dim3A_303 = vector.shape_cast %broadcast_in_dim3A_301 : vector<10000x1xf32> to vector<10000x1xf32>
    %broadcast_in_dim3A_304 = vector.broadcast %broadcast_in_dim3A_303 : vector<10000x1xf32> to vector<10000x64xf32>
    %broadcast_in_dim3A_305 = vector.broadcast %jit3A_302 : f32 to vector<10000x64xf32>
    %select_n3A_306 = arith.select %eq3A_83, %broadcast_in_dim3A_304, %broadcast_in_dim3A_305 : vector<10000x64xi1>, vector<10000x64xf32>
    %reduce_max3A_307 = arith.constant dense<0xFF800000> : vector<64xf32>
    %reduce_max3A_308 = vector.multi_reduction <maximumf>, %select_n3A_306, %reduce_max3A_307 [0] : vector<10000x64xf32> to vector<64xf32>
    %broadcast_in_dim3A_309 = vector.shape_cast %reduce_max3A_308 : vector<64xf32> to vector<1x64xf32>
    %gt3A_310 = arith.constant 0xFF800000 : f32
    %gt3A_311 = vector.broadcast %gt3A_310 : f32 to vector<1x64xf32>
    %gt3A_312 = arith.cmpf ogt, %broadcast_in_dim3A_309, %gt3A_311 : vector<1x64xf32>
    %jit3A_313 = arith.constant 0.000000e+00 : f32
    %broadcast_in_dim3A_314 = vector.broadcast %jit3A_313 : f32 to vector<1x64xf32>
    %select_n3A_315 = arith.select %gt3A_312, %broadcast_in_dim3A_309, %broadcast_in_dim3A_314 : vector<1x64xi1>, vector<1x64xf32>
    %sub3A_316 = vector.broadcast %broadcast_in_dim3A_301 : vector<10000x1xf32> to vector<10000x64xf32>
    %sub3A_317 = vector.broadcast %select_n3A_315 : vector<1x64xf32> to vector<10000x64xf32>
    %sub3A_318 = arith.subf %sub3A_316, %sub3A_317 : vector<10000x64xf32>
    %exp3A_319 = math.exp %sub3A_318 : vector<10000x64xf32>
    %jit3A_320 = arith.constant 0.000000e+00 : f32
    %broadcast_in_dim3A_321 = vector.broadcast %jit3A_320 : f32 to vector<10000x64xf32>
    %select_n3A_322 = arith.select %eq3A_83, %exp3A_319, %broadcast_in_dim3A_321 : vector<10000x64xi1>, vector<10000x64xf32>
    %reduce_sum3A_323 = arith.constant dense<0.000000e+00> : vector<64xf32>
    %reduce_sum3A_324 = vector.multi_reduction <add>, %select_n3A_322, %reduce_sum3A_323 [0] : vector<10000x64xf32> to vector<64xf32>
    %broadcast_in_dim3A_325 = vector.shape_cast %reduce_sum3A_324 : vector<64xf32> to vector<1x64xf32>
    %add3A_326 = arith.constant 9.99999996E-13 : f32
    %add3A_327 = vector.broadcast %add3A_326 : f32 to vector<1x64xf32>
    %add3A_328 = arith.addf %broadcast_in_dim3A_325, %add3A_327 : vector<1x64xf32>
    %div3A_329 = vector.broadcast %add3A_328 : vector<1x64xf32> to vector<10000x64xf32>
    %div3A_330 = arith.divf %select_n3A_322, %div3A_329 : vector<10000x64xf32>
    %dot_general3A_331 = arith.constant dense<0.000000e+00> : vector<64x16xf32>
    %dot_general3A_332 = tpu.matmul %div3A_330, %add3A_77, %dot_general3A_331 {dimension_numbers = #tpu.dot_dimension_numbers<[0], [0], [1], [1], [0, 1, 1, 1], [], []>, transpose_lhs_hint = false} : vector<10000x64xf32>, vector<10000x16xf32>, vector<64x16xf32> -> vector<64x16xf32>
    %concatenate3A_333 = tpu.concatenate %mul3A_295, %dot_general3A_332 in 1 : vector<64x16xf32>, vector<64x16xf32> -> vector<64x32xf32>
    %get3A_334 = arith.constant 0 : index
    %get3A_335 = arith.constant 0 : index
    %get3A_336 = vector.load %arg13[%get3A_334, %get3A_335] : memref<32x16xf32, #tpu.memory_space<vmem>>, vector<32x16xf32>
    %dot_general3A_337 = arith.constant dense<0.000000e+00> : vector<64x16xf32>
    %dot_general3A_338 = tpu.matmul %concatenate3A_333, %get3A_336, %dot_general3A_337 {dimension_numbers = #tpu.dot_dimension_numbers<[1], [0], [0], [1], [0, 0, 1, 1], [], []>, transpose_lhs_hint = false} : vector<64x32xf32>, vector<32x16xf32>, vector<64x16xf32> -> vector<64x16xf32>
    %get3A_339 = arith.constant 0 : index
    %get3A_340 = arith.constant 0 : index
    %get3A_341 = vector.load %arg17[%get3A_339, %get3A_340] : memref<16x16xf32, #tpu.memory_space<vmem>>, vector<16x16xf32>
    %dot_general3A_342 = arith.constant dense<0.000000e+00> : vector<64x16xf32>
    %dot_general3A_343 = tpu.matmul %mul3A_295, %get3A_341, %dot_general3A_342 {dimension_numbers = #tpu.dot_dimension_numbers<[1], [0], [0], [1], [0, 0, 1, 1], [], []>, transpose_lhs_hint = false} : vector<64x16xf32>, vector<16x16xf32>, vector<64x16xf32> -> vector<64x16xf32>
    %add3A_344 = arith.addf %dot_general3A_338, %dot_general3A_343 : vector<64x16xf32>
    %get3A_345 = arith.constant 0 : index
    %get3A_346 = arith.constant 0 : index
    %get3A_347 = vector.load %arg21[%get3A_345, %get3A_346] : memref<1x16xf32, #tpu.memory_space<vmem>>, vector<1x16xf32>
    %add3A_348 = vector.broadcast %get3A_347 : vector<1x16xf32> to vector<64x16xf32>
    %add3A_349 = arith.addf %add3A_344, %add3A_348 : vector<64x16xf32>
    %logistic3A_350 = arith.negf %add3A_349 : vector<64x16xf32>
    %logistic3A_351 = math.exp %logistic3A_350 : vector<64x16xf32>
    %logistic3A_352 = arith.constant 1.000000e+00 : f32
    %logistic3A_353 = vector.broadcast %logistic3A_352 : f32 to vector<64x16xf32>
    %logistic3A_354 = arith.addf %logistic3A_353, %logistic3A_351 : vector<64x16xf32>
    %logistic3A_355 = arith.divf %logistic3A_353, %logistic3A_354 : vector<64x16xf32>
    %get3A_356 = arith.constant 0 : index
    %get3A_357 = arith.constant 0 : index
    %get3A_358 = vector.load %arg14[%get3A_356, %get3A_357] : memref<32x16xf32, #tpu.memory_space<vmem>>, vector<32x16xf32>
    %dot_general3A_359 = arith.constant dense<0.000000e+00> : vector<64x16xf32>
    %dot_general3A_360 = tpu.matmul %concatenate3A_333, %get3A_358, %dot_general3A_359 {dimension_numbers = #tpu.dot_dimension_numbers<[1], [0], [0], [1], [0, 0, 1, 1], [], []>, transpose_lhs_hint = false} : vector<64x32xf32>, vector<32x16xf32>, vector<64x16xf32> -> vector<64x16xf32>
    %get3A_361 = arith.constant 0 : index
    %get3A_362 = arith.constant 0 : index
    %get3A_363 = vector.load %arg18[%get3A_361, %get3A_362] : memref<16x16xf32, #tpu.memory_space<vmem>>, vector<16x16xf32>
    %dot_general3A_364 = arith.constant dense<0.000000e+00> : vector<64x16xf32>
    %dot_general3A_365 = tpu.matmul %mul3A_295, %get3A_363, %dot_general3A_364 {dimension_numbers = #tpu.dot_dimension_numbers<[1], [0], [0], [1], [0, 0, 1, 1], [], []>, transpose_lhs_hint = false} : vector<64x16xf32>, vector<16x16xf32>, vector<64x16xf32> -> vector<64x16xf32>
    %add3A_366 = arith.addf %dot_general3A_360, %dot_general3A_365 : vector<64x16xf32>
    %get3A_367 = arith.constant 0 : index
    %get3A_368 = arith.constant 0 : index
    %get3A_369 = vector.load %arg22[%get3A_367, %get3A_368] : memref<1x16xf32, #tpu.memory_space<vmem>>, vector<1x16xf32>
    %add3A_370 = vector.broadcast %get3A_369 : vector<1x16xf32> to vector<64x16xf32>
    %add3A_371 = arith.addf %add3A_366, %add3A_370 : vector<64x16xf32>
    %logistic3A_372 = arith.negf %add3A_371 : vector<64x16xf32>
    %logistic3A_373 = math.exp %logistic3A_372 : vector<64x16xf32>
    %logistic3A_374 = arith.constant 1.000000e+00 : f32
    %logistic3A_375 = vector.broadcast %logistic3A_374 : f32 to vector<64x16xf32>
    %logistic3A_376 = arith.addf %logistic3A_375, %logistic3A_373 : vector<64x16xf32>
    %logistic3A_377 = arith.divf %logistic3A_375, %logistic3A_376 : vector<64x16xf32>
    %get3A_378 = arith.constant 0 : index
    %get3A_379 = arith.constant 0 : index
    %get3A_380 = vector.load %arg15[%get3A_378, %get3A_379] : memref<32x16xf32, #tpu.memory_space<vmem>>, vector<32x16xf32>
    %dot_general3A_381 = arith.constant dense<0.000000e+00> : vector<64x16xf32>
    %dot_general3A_382 = tpu.matmul %concatenate3A_333, %get3A_380, %dot_general3A_381 {dimension_numbers = #tpu.dot_dimension_numbers<[1], [0], [0], [1], [0, 0, 1, 1], [], []>, transpose_lhs_hint = false} : vector<64x32xf32>, vector<32x16xf32>, vector<64x16xf32> -> vector<64x16xf32>
    %get3A_383 = arith.constant 0 : index
    %get3A_384 = arith.constant 0 : index
    %get3A_385 = vector.load %arg19[%get3A_383, %get3A_384] : memref<16x16xf32, #tpu.memory_space<vmem>>, vector<16x16xf32>
    %dot_general3A_386 = arith.constant dense<0.000000e+00> : vector<64x16xf32>
    %dot_general3A_387 = tpu.matmul %mul3A_295, %get3A_385, %dot_general3A_386 {dimension_numbers = #tpu.dot_dimension_numbers<[1], [0], [0], [1], [0, 0, 1, 1], [], []>, transpose_lhs_hint = false} : vector<64x16xf32>, vector<16x16xf32>, vector<64x16xf32> -> vector<64x16xf32>
    %add3A_388 = arith.addf %dot_general3A_382, %dot_general3A_387 : vector<64x16xf32>
    %get3A_389 = arith.constant 0 : index
    %get3A_390 = arith.constant 0 : index
    %get3A_391 = vector.load %arg23[%get3A_389, %get3A_390] : memref<1x16xf32, #tpu.memory_space<vmem>>, vector<1x16xf32>
    %add3A_392 = vector.broadcast %get3A_391 : vector<1x16xf32> to vector<64x16xf32>
    %add3A_393 = arith.addf %add3A_388, %add3A_392 : vector<64x16xf32>
    %tanh3A_394 = math.tanh %add3A_393 : vector<64x16xf32>
    %get3A_395 = arith.constant 0 : index
    %get3A_396 = arith.constant 0 : index
    %get3A_397 = vector.load %arg16[%get3A_395, %get3A_396] : memref<32x16xf32, #tpu.memory_space<vmem>>, vector<32x16xf32>
    %dot_general3A_398 = arith.constant dense<0.000000e+00> : vector<64x16xf32>
    %dot_general3A_399 = tpu.matmul %concatenate3A_333, %get3A_397, %dot_general3A_398 {dimension_numbers = #tpu.dot_dimension_numbers<[1], [0], [0], [1], [0, 0, 1, 1], [], []>, transpose_lhs_hint = false} : vector<64x32xf32>, vector<32x16xf32>, vector<64x16xf32> -> vector<64x16xf32>
    %get3A_400 = arith.constant 0 : index
    %get3A_401 = arith.constant 0 : index
    %get3A_402 = vector.load %arg20[%get3A_400, %get3A_401] : memref<16x16xf32, #tpu.memory_space<vmem>>, vector<16x16xf32>
    %dot_general3A_403 = arith.constant dense<0.000000e+00> : vector<64x16xf32>
    %dot_general3A_404 = tpu.matmul %mul3A_295, %get3A_402, %dot_general3A_403 {dimension_numbers = #tpu.dot_dimension_numbers<[1], [0], [0], [1], [0, 0, 1, 1], [], []>, transpose_lhs_hint = false} : vector<64x16xf32>, vector<16x16xf32>, vector<64x16xf32> -> vector<64x16xf32>
    %add3A_405 = arith.addf %dot_general3A_399, %dot_general3A_404 : vector<64x16xf32>
    %get3A_406 = arith.constant 0 : index
    %get3A_407 = arith.constant 0 : index
    %get3A_408 = vector.load %arg24[%get3A_406, %get3A_407] : memref<1x16xf32, #tpu.memory_space<vmem>>, vector<1x16xf32>
    %add3A_409 = vector.broadcast %get3A_408 : vector<1x16xf32> to vector<64x16xf32>
    %add3A_410 = arith.addf %add3A_405, %add3A_409 : vector<64x16xf32>
    %logistic3A_411 = arith.negf %add3A_410 : vector<64x16xf32>
    %logistic3A_412 = math.exp %logistic3A_411 : vector<64x16xf32>
    %logistic3A_413 = arith.constant 1.000000e+00 : f32
    %logistic3A_414 = vector.broadcast %logistic3A_413 : f32 to vector<64x16xf32>
    %logistic3A_415 = arith.addf %logistic3A_414, %logistic3A_412 : vector<64x16xf32>
    %logistic3A_416 = arith.divf %logistic3A_414, %logistic3A_415 : vector<64x16xf32>
    %mul3A_417 = arith.mulf %logistic3A_377, %add3A_293 : vector<64x16xf32>
    %mul3A_418 = arith.mulf %logistic3A_355, %tanh3A_394 : vector<64x16xf32>
    %add3A_419 = arith.addf %mul3A_417, %mul3A_418 : vector<64x16xf32>
    %tanh3A_420 = math.tanh %add3A_419 : vector<64x16xf32>
    %mul3A_421 = arith.mulf %logistic3A_416, %tanh3A_420 : vector<64x16xf32>
    %dot_general3A_422 = arith.constant dense<0.000000e+00> : vector<10000x16xf32>
    %dot_general3A_423 = tpu.matmul %convert_element_type3A_84, %mul3A_421, %dot_general3A_422 {dimension_numbers = #tpu.dot_dimension_numbers<[1], [0], [0], [1], [0, 0, 1, 1], [], []>, transpose_lhs_hint = false} : vector<10000x64xf32>, vector<64x16xf32>, vector<10000x16xf32> -> vector<10000x16xf32>
    %mul3A_424 = arith.mulf %add3A_77, %dot_general3A_423 : vector<10000x16xf32>
    %reduce_sum3A_425 = arith.constant dense<0.000000e+00> : vector<10000xf32>
    %reduce_sum3A_426 = vector.multi_reduction <add>, %mul3A_424, %reduce_sum3A_425 [1] : vector<10000x16xf32> to vector<10000xf32>
    %broadcast_in_dim3A_427 = vector.shape_cast %reduce_sum3A_426 : vector<10000xf32> to vector<10000x1xf32>
    %jit3A_428 = arith.constant 0xFF800000 : f32
    %broadcast_in_dim3A_429 = vector.shape_cast %broadcast_in_dim3A_427 : vector<10000x1xf32> to vector<10000x1xf32>
    %broadcast_in_dim3A_430 = vector.broadcast %broadcast_in_dim3A_429 : vector<10000x1xf32> to vector<10000x64xf32>
    %broadcast_in_dim3A_431 = vector.broadcast %jit3A_428 : f32 to vector<10000x64xf32>
    %select_n3A_432 = arith.select %eq3A_83, %broadcast_in_dim3A_430, %broadcast_in_dim3A_431 : vector<10000x64xi1>, vector<10000x64xf32>
    %reduce_max3A_433 = arith.constant dense<0xFF800000> : vector<64xf32>
    %reduce_max3A_434 = vector.multi_reduction <maximumf>, %select_n3A_432, %reduce_max3A_433 [0] : vector<10000x64xf32> to vector<64xf32>
    %broadcast_in_dim3A_435 = vector.shape_cast %reduce_max3A_434 : vector<64xf32> to vector<1x64xf32>
    %gt3A_436 = arith.constant 0xFF800000 : f32
    %gt3A_437 = vector.broadcast %gt3A_436 : f32 to vector<1x64xf32>
    %gt3A_438 = arith.cmpf ogt, %broadcast_in_dim3A_435, %gt3A_437 : vector<1x64xf32>
    %jit3A_439 = arith.constant 0.000000e+00 : f32
    %broadcast_in_dim3A_440 = vector.broadcast %jit3A_439 : f32 to vector<1x64xf32>
    %select_n3A_441 = arith.select %gt3A_438, %broadcast_in_dim3A_435, %broadcast_in_dim3A_440 : vector<1x64xi1>, vector<1x64xf32>
    %sub3A_442 = vector.broadcast %broadcast_in_dim3A_427 : vector<10000x1xf32> to vector<10000x64xf32>
    %sub3A_443 = vector.broadcast %select_n3A_441 : vector<1x64xf32> to vector<10000x64xf32>
    %sub3A_444 = arith.subf %sub3A_442, %sub3A_443 : vector<10000x64xf32>
    %exp3A_445 = math.exp %sub3A_444 : vector<10000x64xf32>
    %jit3A_446 = arith.constant 0.000000e+00 : f32
    %broadcast_in_dim3A_447 = vector.broadcast %jit3A_446 : f32 to vector<10000x64xf32>
    %select_n3A_448 = arith.select %eq3A_83, %exp3A_445, %broadcast_in_dim3A_447 : vector<10000x64xi1>, vector<10000x64xf32>
    %reduce_sum3A_449 = arith.constant dense<0.000000e+00> : vector<64xf32>
    %reduce_sum3A_450 = vector.multi_reduction <add>, %select_n3A_448, %reduce_sum3A_449 [0] : vector<10000x64xf32> to vector<64xf32>
    %broadcast_in_dim3A_451 = vector.shape_cast %reduce_sum3A_450 : vector<64xf32> to vector<1x64xf32>
    %add3A_452 = arith.constant 9.99999996E-13 : f32
    %add3A_453 = vector.broadcast %add3A_452 : f32 to vector<1x64xf32>
    %add3A_454 = arith.addf %broadcast_in_dim3A_451, %add3A_453 : vector<1x64xf32>
    %div3A_455 = vector.broadcast %add3A_454 : vector<1x64xf32> to vector<10000x64xf32>
    %div3A_456 = arith.divf %select_n3A_448, %div3A_455 : vector<10000x64xf32>
    %dot_general3A_457 = arith.constant dense<0.000000e+00> : vector<64x16xf32>
    %dot_general3A_458 = tpu.matmul %div3A_456, %add3A_77, %dot_general3A_457 {dimension_numbers = #tpu.dot_dimension_numbers<[0], [0], [1], [1], [0, 1, 1, 1], [], []>, transpose_lhs_hint = false} : vector<10000x64xf32>, vector<10000x16xf32>, vector<64x16xf32> -> vector<64x16xf32>
    %concatenate3A_459 = tpu.concatenate %mul3A_421, %dot_general3A_458 in 1 : vector<64x16xf32>, vector<64x16xf32> -> vector<64x32xf32>
    %swap3A_460 = arith.constant 0 : index
    %swap3A_461 = arith.constant 0 : index
    %swap3A_462 = vector.load %arg25[%swap3A_460, %swap3A_461] : memref<64x32xf32, #tpu.memory_space<vmem>>, vector<64x32xf32>
    tpu.vector_store %arg25[%swap3A_460, %swap3A_461], %concatenate3A_459 {strides = array<i32>} : memref<64x32xf32, #tpu.memory_space<vmem>>, vector<64x32xf32>,
    return
  }
}

</mosaic_0001>

<sc_bundles>
// kernel: kernel.10.cloned.1.call-start
scs
__scs_entry_jumppad:
0x0: {  	(pc) =	sbr.rel $0x88, $3  }
0x1: {  	(tag) =	ssettag $0x0;
	lr =	simm.s32 $0x1  }
0x2: {  	[smem:$0x3F8F] =	sst lr;
	_ =	strace $0xD0000000  }
0x3: {  	_ = 	snop  }
0x4: {  	_ = 	snop  }
0x5: {  	_ = 	snop  }
0x6: {  	_ = 	snop  }
0x7: {  	_ = 	snop  }
__scs_overlays_trampoline_lowered:
0x8: {  	[smem:$0x3F9E] =	sst s0  }
0x9: {  	[smem:$0x3F9F] =	sst s1  }
0xa: {  	[smem:$0x3FA0] =	sst s2  }
0xb: {  	[smem:$0x3FA1] =	sst s3  }
0xc: {  	[smem:$0x3FA2] =	sst s4  }
0xd: {  	[smem:$0x3FA3] =	sst s5  }
0xe: {  	[smem:$0x3FA4] =	sst s6  }
0xf: {  	[smem:$0x3FA5] =	sst s7  }
0x10: {  	[smem:$0x3FA6] =	sst s8  }
0x11: {  	[smem:$0x3FA7] =	sst s9;
	s0 =	simm.s32 @!p0 $0x0  }
0x12: {  	s1 =	sld [smem:$0x3F8D];
	s0 =	simm.s32 @p0 $0x1  }
0x13: {  	[smem:$0x3FA8] =	sst s0;
	s0 =	simm.s32 @!p1 $0x0  }
0x14: {  	s2 =	sld [smem:$0x3F8C];
	s0 =	simm.s32 @p1 $0x1  }
0x15: {  	[smem:$0x3FA9] =	sst s0;
	s0 =	simm.s32 @!p2 $0x0  }
0x16: {  	s3 =	sld [smem:$0x3FDB];
	s0 =	simm.s32 @p2 $0x1  }
0x17: {  	s4 =	simm.s32 $0x1BF5;
	[smem:$0x3FAB] =	sst s0  }
0x18: {  	s0 =	sld [smem:$0x3F8E];
	_ =	swait.ge [sflag:s4], $0x0  }
0x19: {  	s7 =	sld [smem:$0x3F8F]  }
0x1a: {  	s8 =	sadd.s32 $0xFFFFE003, lr  }
0x1b: {  	s9 =	sadd.s32 $0xFFFFFEF7, lr;
	s5 =	simm.s32 $0xFFFFFFFF;
	p2 =	slt.u32 s8, $0xFFFFF086  }
0x1c: {  	p1 =	slt.u32 s9, $0xF7A;
	s5 =	simm.s32 @!p2 $0x0  }
0x1d: {  	s5 =	simm.s32 @p1 $0x1;
	p0 =	seq.s32 s7, s2  }
0x1e: {  	s7 =	smul.u32 @!p0 $0xF7A, s2;
	p2 =	seq.s32 @!p0 s5, $0x0  }
0x1f: {  	s9 =	smul.u32 $0xF7A, s1;
	s8 =	simm.s32 @!p0 $0x1BF5;
	p2 =	por !p2, p0  }
0x20: {  	[sflag:s8] =	ssyncset.s32 @!p0 $0xFFFFF086;
	s6 =	sadd.s32 @!p0 s3, s7;
	s7 =	simm.s32 @!p0 $0x108  }
0x21: {  	s3 =	sadd.s32 s3, s9;
	s6 =	sadd.s32 @!p0 $0x88, s6;
	s7 =	simm.s32 @p2 $0x1082  }
0x22: {  	[simem:s7], [sflag:s8] =	dma.local @!p0 [hbm:s6], $0xF7A  }
0x23: {  	s9 =	sor.u32 $0xD0000000, s2;
	s6 =	simm.s32 $0x108;
	_ =	swait.ge @!p0 [sflag:s8], $0x0  }
0x24: {  	s3 =	sadd.s32 $0x88, s3;
	s6 =	simm.s32 @!p1 $0x1082;
	[sflag:s4] =	ssyncset.s32 $0xFFFFF086  }
0x25: {  	[simem:s6], [sflag:s4] =	dma.local [hbm:s3], $0xF7A  }
0x26: {  	[smem:$0x3F8F] =	sst s1;
	(tag) =	ssettag s2;
	_ =	strace s9  }
0x27: {  	s1 =	sld [smem:$0x3F9F]  }
0x28: {  	s2 =	sld [smem:$0x3FA0]  }
0x29: {  	s4 =	sld [smem:$0x3FA2]  }
0x2a: {  	p0 =	seq.s32 s5, $0x0;
	s5 =	sld [smem:$0x3FA3]  }
0x2b: {  	s6 =	sld [smem:$0x3FA4]  }
0x2c: {  	s7 =	sld [smem:$0x3FA5]  }
0x2d: {  	s3 =	simm.s32 $0x108;
	s8 =	sld [smem:$0x3FA6]  }
0x2e: {  	s3 =	simm.s32 @!p0 $0x1082;
	s9 =	sld [smem:$0x3FA7]  }
0x2f: {  	lr =	sadd.s32 s0, s3;
	s0 =	sld [smem:$0x3F9E]  }
0x30: {  	s3 =	sld [smem:$0x3FA1]  }
0x31: {  	[smem:$0x3FAA] =	sst s10  }
0x32: {  	s10 =	sld [smem:$0x3FA8];
	_ =	sdelay $0x3  }
0x33: {  	p0 =	seq.s32 s10, $0x1;
	s10 =	sld [smem:$0x3FAA];
	_ =	sdelay $0x3  }
0x34: {  	[smem:$0x3FAA] =	sst s10  }
0x35: {  	s10 =	sld [smem:$0x3FA9];
	_ =	sdelay $0x3  }
0x36: {  	p1 =	seq.s32 s10, $0x1;
	s10 =	sld [smem:$0x3FAA];
	_ =	sdelay $0x3  }
0x37: {  	[smem:$0x3FAA] =	sst s10  }
0x38: {  	s10 =	sld [smem:$0x3FAB]  }
0x39: {  	_ = 	snop;
	(pc) =	sbr.ind lr, $3  }
0x3a: {  	_ = 	snop  }
0x3b: {  	_ = 	snop  }
0x3c: {  	p2 =	seq.s32 s10, $0x1;
	s10 =	sld [smem:$0x3FAA]  }
0x3d: {  	_ =	shalt  }
0x3e: {  	_ =	shalt  }
0x3f: {  	_ =	shalt  }
0x40: {  	_ =	shalt  }
0x41: {  	_ =	shalt  }
0x42: {  	_ =	shalt  }
0x43: {  	_ =	shalt  }
0x44: {  	_ =	shalt  }
0x45: {  	_ =	shalt  }
0x46: {  	_ =	shalt  }
0x47: {  	_ =	shalt  }
0x48: {  	_ =	shalt  }
0x49: {  	_ =	shalt  }
0x4a: {  	_ =	shalt  }
0x4b: {  	_ =	shalt  }
0x4c: {  	_ =	shalt  }
0x4d: {  	_ =	shalt  }
0x4e: {  	_ =	shalt  }
0x4f: {  	_ =	shalt  }
0x50: {  	_ =	shalt  }
0x51: {  	_ =	shalt  }
0x52: {  	_ =	shalt  }
0x53: {  	_ =	shalt  }
0x54: {  	_ =	shalt  }
0x55: {  	_ =	shalt  }
0x56: {  	_ =	shalt  }
0x57: {  	_ =	shalt  }
0x58: {  	_ =	shalt  }
0x59: {  	_ =	shalt  }
0x5a: {  	_ =	shalt  }
0x5b: {  	_ =	shalt  }
0x5c: {  	_ =	shalt  }
0x5d: {  	_ =	shalt  }
0x5e: {  	_ =	shalt  }
0x5f: {  	_ =	shalt  }
0x60: {  	_ =	shalt  }
0x61: {  	_ =	shalt  }
0x62: {  	_ =	shalt  }
0x63: {  	_ =	shalt  }
0x64: {  	_ =	shalt  }
0x65: {  	_ =	shalt  }
0x66: {  	_ =	shalt  }
0x67: {  	_ =	shalt  }
0x68: {  	_ =	shalt  }
0x69: {  	_ =	shalt  }
0x6a: {  	_ =	shalt  }
0x6b: {  	_ =	shalt  }
0x6c: {  	_ =	shalt  }
0x6d: {  	_ =	shalt  }
0x6e: {  	_ =	shalt  }
0x6f: {  	_ =	shalt  }
0x70: {  	_ =	shalt  }
0x71: {  	_ =	shalt  }
0x72: {  	_ =	shalt  }
0x73: {  	_ =	shalt  }
0x74: {  	_ =	shalt  }
0x75: {  	_ =	shalt  }
0x76: {  	_ =	shalt  }
0x77: {  	_ =	shalt  }
0x78: {  	_ =	shalt  }
0x79: {  	_ =	shalt  }
0x7a: {  	_ =	shalt  }
0x7b: {  	_ =	shalt  }
0x7c: {  	_ =	shalt  }
0x7d: {  	_ =	shalt  }
0x7e: {  	_ =	shalt  }
0x7f: {  	_ =	shalt  }
0x80: {  	_ =	shalt  }
0x81: {  	_ =	shalt  }
0x82: {  	_ =	shalt  }
0x83: {  	_ =	shalt  }
0x84: {  	_ =	shalt  }
0x85: {  	_ =	shalt  }
0x86: {  	_ =	shalt  }
0x87: {  	_ =	shalt  }
.Lfunc_end0:
.L_simem_size_0:
called_computation.1_lowered:
.L_overlay_start_0:
0x88: {  	s2 =	sld [smem:$0x3FD9]  }
0x89: {  	s3 =	sld [smem:$0x3FFE];
	_ =	sdelay $0x1  }
0x8a: {  	s1 =	srdreg.scid  }
0x8b: {  	s0 =	sand.u32 $0x1, s1  }
0x8c: {  	s16 =	sshll.u32 s0, $0xA;
	s2 =	sadd.s32 s3, s2  }
0x8d: {  	s2 =	sadd.s32 s2, s16  }
0x8e: {  	[smem:$0x3FB6] =	sst s2  }
0x8f: {  	_ = 	snop  }
0x90: {  	(tm) =	ssettm $0x1  }
0x91: {  	s17 =	sld [smem:$0x3FFB];
	_ =	sdelay $0x3  }
0x92: {  	_ =	strace s17  }
0x93: {  	s2 =	sld [smem:$0x3FFC];
	_ =	sdelay $0x3  }
0x94: {  	_ =	strace s2  }
0x95: {  	s2 =	sld [smem:$0x3FFD];
	_ =	sdelay $0x3  }
0x96: {  	_ =	strace s2  }
0x97: {  	_ =	strace $0x8FFFFFFF  }
0x98: {  	s18 =	sld [smem:$0x3FDB];
	_ =	sdelay $0x1  }
0x99: {  	s19 =	simm.s32 $_scs_section_size  }
0x9a: {  	s4 =	simm.s32 $_size__tile_overlayer_lowered;
	s5 =	simm.s32 $_tile_overlayer_lowered  }
0x9b: {  	s22 =	simm.s32 $0x1BFF;
	s21 =	sshll.u32 s5, $0x1;
	s2 =	sadd.s32 s19, s18  }
0x9c: {  	s6 =	simm.s32 $0x0;
	s20 =	sshll.u32 s4, $0x1;
	s4 =	sadd.s32 s21, s2  }
0x9d: {  	[timem:s6], [sflag:s22] =	dma.local [hbm:s4], s20  }
0x9e: {  	_ =	swait.ge [sflag:s22], s20  }
0x9f: {  	s3 =	ssub.s32 $0x0, s20;
	[sflag:s22] =	ssyncset.done $0x0  }
0xa0: {  	[sflag:s22] =	ssyncadd.s32 s3;
	_ =	sdelay $0x1  }
0xa1: {  	s23 =	simm.s32 $0x1B8B  }
0xa2: {  	_ =	swait.ge [sflag:s23], $0x1  }
0xa3: {  	[sflag:s23] =	ssyncset.done $0x0  }
0xa4: {  	s25 =	simm.s32 $0x1B8E;
	s24 =	sld [smem:$0x3FFE];
	[sflag:s23] =	ssyncadd.s32 $0xFFFFFFFF  }
0xa5: {  	s26 =	simm.s32 $execute0_lowered;
	[smem:$0x3FD2] =	sst s25  }
0xa6: {  	s4 =	sshll.u32 s26, $0x1;
	_ =	strace $0x80000049;
	[dreg:$0x1] =	wrdreg $0xFFFFFFFF  }
0xa7: {  	s28 =	simm.s32 $_size_execute0_lowered;
	s2 =	sadd.s32 s2, s4;
	[dreg:$0x0] =	wrdreg $0x0  }
0xa8: {  	s4 =	sshll.u32 s28, $0x1;
	[dreg:$0x2] =	wrdreg s2  }
0xa9: {  	[dreg:$0x3] =	wrdreg s4  }
0xaa: {  	[dreg:$0x4] =	wrdreg $0xC0  }
0xab: {  	_ =	task [dreg:s6], $0x5FFFF  }
0xac: {  	[dreg:$0x1] =	wrdreg $0xFFFFFFFF  }
0xad: {  	[dreg:$0x0] =	wrdreg $0x60  }
0xae: {  	[dreg:$0x2] =	wrdreg s24  }
0xaf: {  	[dreg:$0x3] =	wrdreg $0x173E00  }
0xb0: {  	[dreg:$0x4] =	wrdreg $0x9  }
0xb1: {  	_ =	task.clear_ibuf [dreg:s6], $0x5FFFF;
	_ =	strace $0x90000049  }
0xb2: {  	s29 =	simm.s32 $0x9;
	_ =	strace $0x8000004B  }
0xb3: {  	_ =	swait.ge [sflag:s29], $0x1  }
0xb4: {  	[sflag:s29] =	ssyncadd.s32 $0xFFFFFFFF  }
0xb5: {  	_ =	strace $0x9000004B  }
0xb6: {  	_ =	sfence  }
0xb7: {  	s30 =	sld [smem:$0x0];
	_ =	sdelay $0x2  }
0xb8: {  	s31 =	sshll.u32 s1, $0xD;
	s1 =	sshrl.u32 s1, $0x2  }
0xb9: {  	s3 =	sand.u32 $0x4000, s31;
	s1 =	sadd.s32 s1, s30  }
0xba: {  	s0 =	sor.u32 s3, s0;
	s1 =	sshll.u32 s1, $0x11  }
0xbb: {  	s0 =	sor.u32 s1, s0  }
0xbc: {  	s0 =	sadd.s32 $0x8F2B, s0  }
0xbd: {  	[sflag:s0] =	ssyncadd.remote.s32 $0x1  }
0xbe: {  	_ =	sfence.sel $0xFFFF  }
0xbf: {  	[dreg:$0x0] =	wrdreg $0xFFFFFFFF;
	(pc) =	sbr.abs _section_cstart, $3  }
0xc0: {  	[dreg:$0x1] =	wrdreg $0xFFFFFFFF  }
0xc1: {  	_ =	task.clear_ibuf [dreg:s6], $0x2FFFF;
	_ =	strace $0x9FFFFFFF  }
0xc2: {  	(tm) =	ssettm $0x7FFFFFFF  }
0xc3: {  	_ =	shalt  }
tec
execute0_lowered:
.L_overlay_start_1:
0x0: {  	(tag) =	ssettag $0x1  }
0x1: {  	s1 =	srdreg.scid;
	s5 =	rddreg [dreg:$0x0]  }
0x2: {  	s0 =	stileid.u32;
	s2 =	rddreg [dreg:$0x1];
	s3 =	simm.s32 $0x0  }
0x3: {  	s11 =	simm.s32 $0x2;
	s12 =	simm.s32 $0x1;
	s8 =	smul.u32 $0x4E2, s0  }
0x4: {  	s4 =	sand.u32 $0x1, s1;
	s28 =	sshll.u32 s0, $0x1;
	s10 =	smul.u32 $0x9C40, s0  }
0x5: {  	s13 =	simm.s32 $0x64;
	s1 =	sor.u32 s4, s28;
	s9 =	smul.u32 $0x4E20, s4  }
0x6: {  	s14 =	simm.s32 $0x0;
	[smem:$0x7FF] =	sst s3;
	s6 =	smul.u32 $0x2710, s1  }
0x7: {  	s29 =	ssub.s32 $0x2, s4;
	s4 =	sadd.s32 $0x52200, s5;
	s7 =	smul.u32 $0x28A, s1  }
0x8: {  	s1 =	rddreg [dreg:$0x2];
	_ =	strace $0x8000004A;
	s30 =	sshrl.u32 s29, $0x1  }
0x9: {  	s31 =	sshrl.u32 s10, $0x2;
	s10 =	simm.s32 $0x14CD0;
	s8 =	sadd.s32 s8, s9  }
0xa: {  	s9 =	ssub.s32 s29, s30;
	s6 =	sadd.s32 s6, s5;
	s7 =	sadd.s32 s7, s5  }
0xb: {  	s8 =	sadd.s32 s8, s5;
	s9 =	smax.u32 s9, $0x1;
	s5 =	sadd.s32 $0x57400, s7  }
0xc: {  	s6 =	sadd.s32 $0x4000, s6;
	s7 =	sadd.s32 s31, s2;
	s8 =	sadd.s32 $0x5C600, s8  }
.LBB2_1:
0xd: {  	[tilespmem:s3], [sflag:$0x1] =	stream.linear.gather [hbm4b:s5+s3], $0x1450, $0x38;
	[tilespmem:$0x19AF0] =	vst v63  }
0xe: {  	s15 =	simm.s32 $0x1450  }
0xf: {  	[tilespmem:s15], [sflag:$0x1] =	stream.linear.gather [hbm4b:s6+s3], $0x13880, $0x38;
	[tilespmem:$0x19AF0] =	vst v63  }
0x10: {  	_ = 	snop  }
0x11: {  	[tilespmem:s10], [sflag:$0x2] =	stream.linear.gather [hbm4b:s4+s3], $0x2710, $0x38;
	[tilespmem:$0x19AF0] =	vst v63  }
0x12: {  	_ =	swait.ge [sflag:s11], $0x2710  }
0x13: {  	[sflag:s11] =	ssyncset.done $0x0  }
0x14: {  	[sflag:s11] =	ssyncadd.s32 $0xFFFFD8F0  }
0x15: {  	[spmem:s7] =	stream.linear.scatter [tilespmem:s10], [sflag:$0x2], $0x2710, $0x38;
	[tilespmem:$0x19AF0] =	vst v63  }
0x16: {  	_ =	swait.ge [sflag:s11], $0x2710  }
0x17: {  	[sflag:s11] =	ssyncset.done $0x0  }
0x18: {  	[sflag:s11] =	ssyncadd.s32 $0xFFFFD8F0  }
0x19: {  	[bflag:$0x0] =	sbarrier.arrive $0xFFFF  }
0x1a: {  	_ =	swait.ge [sflag:s12], $0x1450  }
0x1b: {  	[sflag:s12] =	ssyncset.done $0x0  }
0x1c: {  	[sflag:s12] =	ssyncadd.s32 $0xFFFFEBB0  }
0x1d: {  	_ =	swait.ge [sflag:s12], $0x13880  }
0x1e: {  	[sflag:s12] =	ssyncset.done $0x0  }
0x1f: {  	s16 =	simm.s32 $0x0;
	[sflag:s12] =	ssyncadd.s32 $0xFFFEC780  }
.LBB2_2:
0x20: {  	p0 =	sne.s32 s16, $0x4FA0  }
.Ltmp0:
0x21: {  	_ = 	snop;
	(pc) =	sbr.rel @p0 .LBB2_2-.Ltmp0, $4  }
0x22: {  	_ = 	snop  }
0x23: {  	s17 =	sshra.s32 s16, $0x2  }
0x24: {  	[spmem:s2] =	stream.indirect.scatter.add.f32 [tilespmem:s15], [sflag:$0x1], $0x10, s17, s13, $0xb8;
	[tilespmem:$0x19AF0] =	vst v63  }
0x25: {  	s16 =	sadd.s32 $0x1A0, s16;
	s15 =	sadd.s32 $0x640, s15  }
0x26: {  	_ =	swait.ge [sflag:s12], $0x640  }
0x27: {  	s15 =	simm.s32 $0x31;
	[sflag:s12] =	ssyncset.done $0x0  }
.LBB2_4:
0x28: {  	p0 =	sne.s32 s15, $0x1;
	s15 =	sadd.s32 $0xFFFFFFFF, s15;
	[sflag:s12] =	ssyncadd.s32 $0xFFFFF9C0  }
.Ltmp1:
0x29: {  	(pc) =	sbr.rel @p0 .LBB2_4-.Ltmp1, $3  }
0x2a: {  	_ =	sdelay $0x1  }
0x2b: {  	_ =	swait.ge [sflag:s12], $0x640  }
0x2c: {  	[sflag:s12] =	ssyncset.done $0x0  }
0x2d: {  	[sflag:s12] =	ssyncadd.s32 $0xFFFFF9C0  }
0x2e: {  	[bflag:$0x0] =	sbarrier.arrive $0xFFFF  }
0x2f: {  	[tilespmem:s10], [sflag:$0x2] =	stream.linear.gather [spmem:s7], $0x2710, $0x38;
	[tilespmem:$0x19AF0] =	vst v63  }
0x30: {  	s14 =	sadd.s32 $0x1, s14;
	_ =	swait.ge [sflag:s11], $0x2710  }
0x31: {  	p0 =	sne.s32 s14, s9;
	[sflag:s11] =	ssyncset.done $0x0  }
.Ltmp2:
0x32: {  	[sflag:s11] =	ssyncadd.s32 $0xFFFFD8F0;
	(pc) =	sbr.rel @p0 .LBB2_1-.Ltmp2, $4  }
0x33: {  	[hbm4b:s8+s3] =	stream.linear.scatter [tilespmem:s10], [sflag:$0x2], $0x2710, $0x38;
	[tilespmem:$0x19AF0] =	vst v63  }
0x34: {  	_ =	swait.ge [sflag:s11], $0x2710  }
0x35: {  	[sflag:s11] =	ssyncset.done $0x0  }
0x36: {  	[sflag:s11] =	ssyncadd.s32 $0xFFFFD8F0  }
0x37: {  	_ =	sfence.sel $0x180000  }
0x38: {  	[bflag:$0x0] =	sbarrier.arrive $0xFFFF  }
0x39: {  	p0 =	sne.s32 s0, $0x0;
	_ =	strace $0x9000004A  }
0x3a: {  	s0 =	sadd.s32 @!p0 $0x100000, s1;
	[bflag:$0x2] =	sbarrier.arrive $0xFFFF  }
0x3b: {  	[sflag:s0] =	ssyncadd.tile.s32 @!p0 $0x1;
	_ =	shalt  }
.Lfunc_end2:
_tile_overlayer_lowered:
.L_overlay_start_2:
0x3c: {  	(tag) =	ssettag $0x2  }
0x3d: {  	s0 =	rddreg [dreg:$0x0];
	s2 =	stileid.u32  }
0x3e: {  	s1 =	rddreg [dreg:$0x1];
	p0 =	sne.s32 s2, $0x0  }
0x3f: {  	s3 =	rddreg [dreg:$0x2];
	[bflag:$0x3] =	sbarrier.arrive $0xFFFF;
	s2 =	simm.s32 @!p0 $0x1C02  }
0x40: {  	[timem:s3], [sflag:s2] =	dma.local @!p0 [hbm:s0], s1  }
0x41: {  	s0 =	simm.s32 @!p0 $0x2  }
0x42: {  	_ =	swait.ge @!p0 [sflag:s0], s1  }
0x43: {  	s1 =	ssub.s32 @!p0 $0x0, s1;
	[sflag:s0] =	ssyncset.done @!p0 $0x0  }
0x44: {  	[sflag:s0] =	ssyncadd.s32 @!p0 s1  }
0x45: {  	[bflag:$0x3] =	sbarrier.arrive $0xFFFF  }
0x46: {  	_ =	shalt  }

// kernel: kernel.7.cloned.1.call-start
scs
__scs_entry_jumppad:
0x0: {  	(pc) =	sbr.rel $0x88, $3  }
0x1: {  	(tag) =	ssettag $0x0;
	lr =	simm.s32 $0x1  }
0x2: {  	[smem:$0x3F8F] =	sst lr;
	_ =	strace $0xD0000000  }
0x3: {  	_ = 	snop  }
0x4: {  	_ = 	snop  }
0x5: {  	_ = 	snop  }
0x6: {  	_ = 	snop  }
0x7: {  	_ = 	snop  }
__scs_overlays_trampoline_lowered:
0x8: {  	[smem:$0x3F9E] =	sst s0  }
0x9: {  	[smem:$0x3F9F] =	sst s1  }
0xa: {  	[smem:$0x3FA0] =	sst s2  }
0xb: {  	[smem:$0x3FA1] =	sst s3  }
0xc: {  	[smem:$0x3FA2] =	sst s4  }
0xd: {  	[smem:$0x3FA3] =	sst s5  }
0xe: {  	[smem:$0x3FA4] =	sst s6  }
0xf: {  	[smem:$0x3FA5] =	sst s7  }
0x10: {  	[smem:$0x3FA6] =	sst s8  }
0x11: {  	[smem:$0x3FA7] =	sst s9;
	s0 =	simm.s32 @!p0 $0x0  }
0x12: {  	s1 =	sld [smem:$0x3F8D];
	s0 =	simm.s32 @p0 $0x1  }
0x13: {  	[smem:$0x3FA8] =	sst s0;
	s0 =	simm.s32 @!p1 $0x0  }
0x14: {  	s2 =	sld [smem:$0x3F8C];
	s0 =	simm.s32 @p1 $0x1  }
0x15: {  	[smem:$0x3FA9] =	sst s0;
	s0 =	simm.s32 @!p2 $0x0  }
0x16: {  	s3 =	sld [smem:$0x3FDB];
	s0 =	simm.s32 @p2 $0x1  }
0x17: {  	s4 =	simm.s32 $0x1BF5;
	[smem:$0x3FAB] =	sst s0  }
0x18: {  	s0 =	sld [smem:$0x3F8E];
	_ =	swait.ge [sflag:s4], $0x0  }
0x19: {  	s7 =	sld [smem:$0x3F8F]  }
0x1a: {  	s8 =	sadd.s32 $0xFFFFE003, lr  }
0x1b: {  	s9 =	sadd.s32 $0xFFFFFEF7, lr;
	s5 =	simm.s32 $0xFFFFFFFF;
	p2 =	slt.u32 s8, $0xFFFFF086  }
0x1c: {  	p1 =	slt.u32 s9, $0xF7A;
	s5 =	simm.s32 @!p2 $0x0  }
0x1d: {  	s5 =	simm.s32 @p1 $0x1;
	p0 =	seq.s32 s7, s2  }
0x1e: {  	s7 =	smul.u32 @!p0 $0xF7A, s2;
	p2 =	seq.s32 @!p0 s5, $0x0  }
0x1f: {  	s9 =	smul.u32 $0xF7A, s1;
	s8 =	simm.s32 @!p0 $0x1BF5;
	p2 =	por !p2, p0  }
0x20: {  	[sflag:s8] =	ssyncset.s32 @!p0 $0xFFFFF086;
	s6 =	sadd.s32 @!p0 s3, s7;
	s7 =	simm.s32 @!p0 $0x108  }
0x21: {  	s3 =	sadd.s32 s3, s9;
	s6 =	sadd.s32 @!p0 $0x88, s6;
	s7 =	simm.s32 @p2 $0x1082  }
0x22: {  	[simem:s7], [sflag:s8] =	dma.local @!p0 [hbm:s6], $0xF7A  }
0x23: {  	s9 =	sor.u32 $0xD0000000, s2;
	s6 =	simm.s32 $0x108;
	_ =	swait.ge @!p0 [sflag:s8], $0x0  }
0x24: {  	s3 =	sadd.s32 $0x88, s3;
	s6 =	simm.s32 @!p1 $0x1082;
	[sflag:s4] =	ssyncset.s32 $0xFFFFF086  }
0x25: {  	[simem:s6], [sflag:s4] =	dma.local [hbm:s3], $0xF7A  }
0x26: {  	[smem:$0x3F8F] =	sst s1;
	(tag) =	ssettag s2;
	_ =	strace s9  }
0x27: {  	s1 =	sld [smem:$0x3F9F]  }
0x28: {  	s2 =	sld [smem:$0x3FA0]  }
0x29: {  	s4 =	sld [smem:$0x3FA2]  }
0x2a: {  	p0 =	seq.s32 s5, $0x0;
	s5 =	sld [smem:$0x3FA3]  }
0x2b: {  	s6 =	sld [smem:$0x3FA4]  }
0x2c: {  	s7 =	sld [smem:$0x3FA5]  }
0x2d: {  	s3 =	simm.s32 $0x108;
	s8 =	sld [smem:$0x3FA6]  }
0x2e: {  	s3 =	simm.s32 @!p0 $0x1082;
	s9 =	sld [smem:$0x3FA7]  }
0x2f: {  	lr =	sadd.s32 s0, s3;
	s0 =	sld [smem:$0x3F9E]  }
0x30: {  	s3 =	sld [smem:$0x3FA1]  }
0x31: {  	[smem:$0x3FAA] =	sst s10  }
0x32: {  	s10 =	sld [smem:$0x3FA8];
	_ =	sdelay $0x3  }
0x33: {  	p0 =	seq.s32 s10, $0x1;
	s10 =	sld [smem:$0x3FAA];
	_ =	sdelay $0x3  }
0x34: {  	[smem:$0x3FAA] =	sst s10  }
0x35: {  	s10 =	sld [smem:$0x3FA9];
	_ =	sdelay $0x3  }
0x36: {  	p1 =	seq.s32 s10, $0x1;
	s10 =	sld [smem:$0x3FAA];
	_ =	sdelay $0x3  }
0x37: {  	[smem:$0x3FAA] =	sst s10  }
0x38: {  	s10 =	sld [smem:$0x3FAB]  }
0x39: {  	_ = 	snop;
	(pc) =	sbr.ind lr, $3  }
0x3a: {  	_ = 	snop  }
0x3b: {  	_ = 	snop  }
0x3c: {  	p2 =	seq.s32 s10, $0x1;
	s10 =	sld [smem:$0x3FAA]  }
0x3d: {  	_ =	shalt  }
0x3e: {  	_ =	shalt  }
0x3f: {  	_ =	shalt  }
0x40: {  	_ =	shalt  }
0x41: {  	_ =	shalt  }
0x42: {  	_ =	shalt  }
0x43: {  	_ =	shalt  }
0x44: {  	_ =	shalt  }
0x45: {  	_ =	shalt  }
0x46: {  	_ =	shalt  }
0x47: {  	_ =	shalt  }
0x48: {  	_ =	shalt  }
0x49: {  	_ =	shalt  }
0x4a: {  	_ =	shalt  }
0x4b: {  	_ =	shalt  }
0x4c: {  	_ =	shalt  }
0x4d: {  	_ =	shalt  }
0x4e: {  	_ =	shalt  }
0x4f: {  	_ =	shalt  }
0x50: {  	_ =	shalt  }
0x51: {  	_ =	shalt  }
0x52: {  	_ =	shalt  }
0x53: {  	_ =	shalt  }
0x54: {  	_ =	shalt  }
0x55: {  	_ =	shalt  }
0x56: {  	_ =	shalt  }
0x57: {  	_ =	shalt  }
0x58: {  	_ =	shalt  }
0x59: {  	_ =	shalt  }
0x5a: {  	_ =	shalt  }
0x5b: {  	_ =	shalt  }
0x5c: {  	_ =	shalt  }
0x5d: {  	_ =	shalt  }
0x5e: {  	_ =	shalt  }
0x5f: {  	_ =	shalt  }
0x60: {  	_ =	shalt  }
0x61: {  	_ =	shalt  }
0x62: {  	_ =	shalt  }
0x63: {  	_ =	shalt  }
0x64: {  	_ =	shalt  }
0x65: {  	_ =	shalt  }
0x66: {  	_ =	shalt  }
0x67: {  	_ =	shalt  }
0x68: {  	_ =	shalt  }
0x69: {  	_ =	shalt  }
0x6a: {  	_ =	shalt  }
0x6b: {  	_ =	shalt  }
0x6c: {  	_ =	shalt  }
0x6d: {  	_ =	shalt  }
0x6e: {  	_ =	shalt  }
0x6f: {  	_ =	shalt  }
0x70: {  	_ =	shalt  }
0x71: {  	_ =	shalt  }
0x72: {  	_ =	shalt  }
0x73: {  	_ =	shalt  }
0x74: {  	_ =	shalt  }
0x75: {  	_ =	shalt  }
0x76: {  	_ =	shalt  }
0x77: {  	_ =	shalt  }
0x78: {  	_ =	shalt  }
0x79: {  	_ =	shalt  }
0x7a: {  	_ =	shalt  }
0x7b: {  	_ =	shalt  }
0x7c: {  	_ =	shalt  }
0x7d: {  	_ =	shalt  }
0x7e: {  	_ =	shalt  }
0x7f: {  	_ =	shalt  }
0x80: {  	_ =	shalt  }
0x81: {  	_ =	shalt  }
0x82: {  	_ =	shalt  }
0x83: {  	_ =	shalt  }
0x84: {  	_ =	shalt  }
0x85: {  	_ =	shalt  }
0x86: {  	_ =	shalt  }
0x87: {  	_ =	shalt  }
.Lfunc_end0:
.L_simem_size_0:
called_computation_lowered:
.L_overlay_start_0:
0x88: {  	s2 =	sld [smem:$0x3FD9]  }
0x89: {  	s3 =	sld [smem:$0x3FFE];
	_ =	sdelay $0x1  }
0x8a: {  	s1 =	srdreg.scid  }
0x8b: {  	s0 =	sand.u32 $0x1, s1  }
0x8c: {  	s14 =	sshll.u32 s0, $0xA;
	s2 =	sadd.s32 s3, s2  }
0x8d: {  	s2 =	sadd.s32 s2, s14  }
0x8e: {  	[smem:$0x3FB6] =	sst s2  }
0x8f: {  	_ = 	snop  }
0x90: {  	s2 =	sld [smem:$0x3FD0];
	_ =	sdelay $0x2  }
0x91: {  	s15 =	simm.s32 $0xA;
	s4 =	simm.s32 $0x10  }
0x92: {  	[smem:s4], [sflag:s15] =	dma.local [hbm:s2], $0x1  }
0x93: {  	_ =	swait.eq [sflag:s15], $0x1  }
0x94: {  	[sflag:s15] =	ssyncset.done $0x0  }
0x95: {  	[sflag:s15] =	ssyncadd.s32 $0xFFFFFFFF  }
0x96: {  	s16 =	sld [smem:$0x11];
	(tm) =	ssettm $0x1  }
0x97: {  	s17 =	sld [smem:$0x3FFB];
	_ =	sdelay $0x3  }
0x98: {  	_ =	strace s17  }
0x99: {  	s3 =	sld [smem:$0x3FFC];
	_ =	sdelay $0x3  }
0x9a: {  	_ =	strace s3  }
0x9b: {  	s3 =	sld [smem:$0x3FFD];
	_ =	sdelay $0x3  }
0x9c: {  	_ =	strace s3  }
0x9d: {  	_ =	strace $0x8FFFFFFF  }
0x9e: {  	s18 =	sld [smem:$0x3FDB];
	_ =	sdelay $0x1  }
0x9f: {  	s19 =	simm.s32 $_scs_section_size  }
0xa0: {  	s5 =	simm.s32 $_size__tile_overlayer_lowered;
	s6 =	simm.s32 $_tile_overlayer_lowered  }
0xa1: {  	s22 =	simm.s32 $0x1BFF;
	s21 =	sshll.u32 s6, $0x1;
	s3 =	sadd.s32 s19, s18  }
0xa2: {  	s7 =	simm.s32 $0x0;
	s20 =	sshll.u32 s5, $0x1;
	s5 =	sadd.s32 s21, s3  }
0xa3: {  	[timem:s7], [sflag:s22] =	dma.local [hbm:s5], s20  }
0xa4: {  	_ =	swait.ge [sflag:s22], s20  }
0xa5: {  	s4 =	ssub.s32 $0x0, s20;
	[sflag:s22] =	ssyncset.done $0x0  }
0xa6: {  	[sflag:s22] =	ssyncadd.s32 s4;
	_ =	sdelay $0x1  }
0xa7: {  	s23 =	simm.s32 $0x1B8B  }
0xa8: {  	_ =	swait.ge [sflag:s23], $0x1  }
0xa9: {  	[sflag:s23] =	ssyncset.done $0x0  }
0xaa: {  	s25 =	simm.s32 $0x1B8E;
	s24 =	sld [smem:$0x3FFE];
	[sflag:s23] =	ssyncadd.s32 $0xFFFFFFFF  }
0xab: {  	s26 =	simm.s32 $execute0_lowered;
	[smem:$0x3FD2] =	sst s25  }
0xac: {  	s5 =	sshll.u32 s26, $0x1;
	_ =	strace $0x80000046;
	[dreg:$0x1] =	wrdreg $0xFFFFFFFF  }
0xad: {  	s28 =	simm.s32 $_size_execute0_lowered;
	s3 =	sadd.s32 s3, s5;
	[dreg:$0x0] =	wrdreg $0x0  }
0xae: {  	s5 =	sshll.u32 s28, $0x1;
	[dreg:$0x2] =	wrdreg s3  }
0xaf: {  	[dreg:$0x3] =	wrdreg s5  }
0xb0: {  	[dreg:$0x4] =	wrdreg $0xC0  }
0xb1: {  	_ =	task [dreg:s7], $0x5FFFF  }
0xb2: {  	[dreg:$0x1] =	wrdreg $0xFFFFFFFF  }
0xb3: {  	[dreg:$0x0] =	wrdreg $0x60  }
0xb4: {  	[dreg:$0x2] =	wrdreg s16  }
0xb5: {  	[dreg:$0x3] =	wrdreg s24  }
0xb6: {  	[dreg:$0x4] =	wrdreg $0x9  }
0xb7: {  	_ =	task.clear_ibuf [dreg:s7], $0x5FFFF;
	_ =	strace $0x90000046  }
0xb8: {  	s29 =	simm.s32 $0x9;
	_ =	strace $0x80000048  }
0xb9: {  	_ =	swait.ge [sflag:s29], $0x1  }
0xba: {  	[sflag:s29] =	ssyncadd.s32 $0xFFFFFFFF  }
0xbb: {  	_ =	strace $0x90000048  }
0xbc: {  	_ =	sfence  }
0xbd: {  	s30 =	sld [smem:$0x0];
	_ =	sdelay $0x2  }
0xbe: {  	s31 =	sshll.u32 s1, $0xD;
	s1 =	sshrl.u32 s1, $0x2  }
0xbf: {  	s3 =	sand.u32 $0x4000, s31;
	s1 =	sadd.s32 s1, s30  }
0xc0: {  	s0 =	sor.u32 s3, s0;
	s1 =	sshll.u32 s1, $0x11  }
0xc1: {  	s0 =	sor.u32 s1, s0  }
0xc2: {  	s0 =	sadd.s32 $0x8F2B, s0  }
0xc3: {  	[sflag:s0] =	ssyncadd.remote.s32 $0x1  }
0xc4: {  	_ =	sfence.sel $0xFFFF  }
0xc5: {  	[dreg:$0x0] =	wrdreg $0xFFFFFFFF;
	(pc) =	sbr.abs _section_cstart, $3  }
0xc6: {  	[dreg:$0x1] =	wrdreg $0xFFFFFFFF  }
0xc7: {  	_ =	task.clear_ibuf [dreg:s7], $0x2FFFF;
	_ =	strace $0x9FFFFFFF  }
0xc8: {  	(tm) =	ssettm $0x7FFFFFFF  }
0xc9: {  	_ =	shalt  }
tec
execute0_lowered:
.L_overlay_start_1:
0x0: {  	(tag) =	ssettag $0x1  }
0x1: {  	s1 =	srdreg.scid;
	s2 =	rddreg [dreg:$0x0]  }
0x2: {  	s0 =	stileid.u32;
	s5 =	rddreg [dreg:$0x1];
	s3 =	simm.s32 $0x0  }
0x3: {  	s8 =	simm.s32 $0x64;
	s4 =	sand.u32 $0x1, s1;
	s30 =	sshll.u32 s0, $0x1  }
0x4: {  	s9 =	simm.s32 $0x1;
	s10 =	simm.s32 $0x1450;
	s6 =	sor.u32 s4, s30  }
0x5: {  	s11 =	simm.s32 $0x0;
	s1 =	rddreg [dreg:$0x2];
	s7 =	smul.u32 $0x28A, s6  }
0x6: {  	[smem:$0x7FF] =	sst s3;
	s4 =	ssub.s32 $0x2, s4;
	s6 =	smul.u32 $0x2710, s6  }
0x7: {  	_ =	strace $0x80000047;
	s31 =	sshrl.u32 s4, $0x1;
	s7 =	sadd.s32 s7, s5  }
0x8: {  	s5 =	sadd.s32 s6, s5;
	s6 =	ssub.s32 s4, s31;
	s4 =	sadd.s32 $0x4000, s7  }
0x9: {  	s5 =	sadd.s32 $0x9200, s5;
	s6 =	smax.u32 s6, $0x1;
	s7 =	simm.s32 $0x2  }
.LBB2_1:
0xa: {  	[tilespmem:s3], [sflag:$0x2] =	stream.linear.gather [hbm4b:s4+s3], $0x1450, $0x38;
	[tilespmem:$0x14CD0] =	vst v63  }
0xb: {  	_ =	swait.ge [sflag:s7], $0x1450  }
0xc: {  	[sflag:s7] =	ssyncset.done $0x0  }
0xd: {  	s12 =	simm.s32 $0x1450;
	s13 =	simm.s32 $0x0;
	[sflag:s7] =	ssyncadd.s32 $0xFFFFEBB0  }
.LBB2_2:
0xe: {  	p0 =	sne.s32 s13, $0x4FA0  }
.Ltmp0:
0xf: {  	_ = 	snop;
	(pc) =	sbr.rel @p0 .LBB2_2-.Ltmp0, $4  }
0x10: {  	_ = 	snop  }
0x11: {  	s14 =	sshra.s32 s13, $0x2  }
0x12: {  	[tilespmem:s12], [sflag:$0x1] =	stream.indirect.gather [hbm4b:s2+s8], $0x10, s14, s8, $0xb8;
	[tilespmem:$0x14CD0] =	vst v63  }
0x13: {  	s13 =	sadd.s32 $0x1A0, s13;
	s12 =	sadd.s32 $0x640, s12  }
0x14: {  	_ =	swait.ge [sflag:s9], $0x640  }
0x15: {  	s12 =	simm.s32 $0x31;
	[sflag:s9] =	ssyncset.done $0x0  }
.LBB2_4:
0x16: {  	p0 =	sne.s32 s12, $0x1;
	s12 =	sadd.s32 $0xFFFFFFFF, s12;
	[sflag:s9] =	ssyncadd.s32 $0xFFFFF9C0  }
.Ltmp1:
0x17: {  	(pc) =	sbr.rel @p0 .LBB2_4-.Ltmp1, $3  }
0x18: {  	_ =	sdelay $0x1  }
0x19: {  	_ =	swait.ge [sflag:s9], $0x640  }
0x1a: {  	[sflag:s9] =	ssyncset.done $0x0  }
0x1b: {  	s11 =	sadd.s32 $0x1, s11  }
0x1c: {  	p0 =	sne.s32 s11, s6  }
.Ltmp2:
0x1d: {  	[sflag:s9] =	ssyncadd.s32 $0xFFFFF9C0;
	(pc) =	sbr.rel @p0 .LBB2_1-.Ltmp2, $4  }
0x1e: {  	[hbm4b:s5+s3] =	stream.linear.scatter [tilespmem:s10], [sflag:$0x2], $0x13880, $0x38;
	[tilespmem:$0x14CD0] =	vst v63  }
0x1f: {  	_ =	swait.ge [sflag:s7], $0x13880  }
0x20: {  	[sflag:s7] =	ssyncset.done $0x0  }
0x21: {  	[sflag:s7] =	ssyncadd.s32 $0xFFFEC780  }
0x22: {  	_ =	sfence.sel $0x180000  }
0x23: {  	[bflag:$0x0] =	sbarrier.arrive $0xFFFF  }
0x24: {  	p0 =	sne.s32 s0, $0x0;
	_ =	strace $0x90000047  }
0x25: {  	s0 =	sadd.s32 @!p0 $0x100000, s1;
	[bflag:$0x2] =	sbarrier.arrive $0xFFFF  }
0x26: {  	[sflag:s0] =	ssyncadd.tile.s32 @!p0 $0x1;
	_ =	shalt  }
.Lfunc_end2:
_tile_overlayer_lowered:
.L_overlay_start_2:
0x27: {  	(tag) =	ssettag $0x2  }
0x28: {  	s0 =	rddreg [dreg:$0x0];
	s2 =	stileid.u32  }
0x29: {  	s1 =	rddreg [dreg:$0x1];
	p0 =	sne.s32 s2, $0x0  }
0x2a: {  	s3 =	rddreg [dreg:$0x2];
	[bflag:$0x3] =	sbarrier.arrive $0xFFFF;
	s2 =	simm.s32 @!p0 $0x1C02  }
0x2b: {  	[timem:s3], [sflag:s2] =	dma.local @!p0 [hbm:s0], s1  }
0x2c: {  	s0 =	simm.s32 @!p0 $0x2  }
0x2d: {  	_ =	swait.ge @!p0 [sflag:s0], s1  }
0x2e: {  	s1 =	ssub.s32 @!p0 $0x0, s1;
	[sflag:s0] =	ssyncset.done @!p0 $0x0  }
0x2f: {  	[sflag:s0] =	ssyncadd.s32 @!p0 s1  }
0x30: {  	[bflag:$0x3] =	sbarrier.arrive $0xFFFF  }
0x31: {  	_ =	shalt  }

</sc_bundles>
